<compile_context>
chip_gen: v7x
topology: tpu7x:2x2x1
jax: 0.10.2.dev20260603
libtpu: 0.0.44.dev20260713+nightly
codegen_flags: <defaults>
</compile_context>

<pallas_src>
import functools

import jax
import jax.numpy as jnp
from jax import lax
from jax.experimental import pallas as pl
from jax.experimental.pallas import tpu as pltpu
from jax.experimental.pallas import tpu_sc as plsc

_NC, _NS = 2, 16
_NW = _NC * _NS
_CHUNK = 48
_BLK = 2048
_SC_FRAC_NUM, _SC_FRAC_DEN = 6, 32


def _table_body(emb_ref, comp_ref, w_ref, b_ref, t_ref):
    emb = emb_ref[:]
    w = w_ref[:]
    p = lax.dot_general(emb, w, (((1,), (1,)), ((), ())),
                        preferred_element_type=jnp.float32) + b_ref[:]
    v, h = p.shape
    oh = (comp_ref[:] == lax.broadcasted_iota(jnp.int32, (v, v), 1)
          ).astype(jnp.float32)
    pc = lax.dot_general(oh, p, (((1,), (0,)), ((), ())),
                         preferred_element_type=jnp.float32)
    r = lax.broadcasted_iota(jnp.int32, (h, h), 0)
    c = lax.broadcasted_iota(jnp.int32, (h, h), 1)
    jrev = (r + c == h - 1).astype(jnp.float32)
    pcr = lax.dot_general(pc, jrev, (((1,), (0,)), ((), ())),
                          preferred_element_type=jnp.float32)
    t = jnp.concatenate([p, pcr], axis=1)
    t_ref[:] = jnp.broadcast_to(t[None], t_ref.shape)


def _make_tables(emb_weight, comp2, proj_weight, bias2):
    v, d = emb_weight.shape
    return pl.pallas_call(
        _table_body,
        out_shape=jax.ShapeDtypeStruct((_NW, v, d), jnp.float32),
    )(emb_weight, comp2, proj_weight, bias2).reshape(_NW * v, d)


def _sc_gather(ids_sc, tables, n_sc, n_tok, d, v):
    b_per_w = n_sc // _NW
    n_chunks = b_per_w // _CHUNK
    mesh = plsc.VectorSubcoreMesh(core_axis_name="c", subcore_axis_name="s",
                                  num_cores=_NC, num_subcores=_NS)

    @functools.partial(
        pl.kernel,
        out_type=jax.ShapeDtypeStruct((n_tok, d), jnp.float32),
        mesh=mesh,
        scratch_types=[
            pltpu.VMEM((b_per_w,), jnp.int32),
            pltpu.VMEM((2, _CHUNK, d), jnp.float32),
            pltpu.SemaphoreType.DMA,
            pltpu.SemaphoreType.DMA,
            pltpu.SemaphoreType.DMA,
            pltpu.SemaphoreType.DMA,
        ],
    )
    def k(ids_hbm, table_hbm, out_hbm, idx_v, rows_v, gs0, gs1, ss0, ss1):
        gsems = (gs0, gs1)
        ssems = (ss0, ss1)
        wid = lax.axis_index("s") * _NC + lax.axis_index("c")
        base = wid * b_per_w

        def gather_start(cc, b):
            pltpu.async_copy(table_hbm.at[idx_v.at[pl.ds(cc * _CHUNK, _CHUNK)]],
                             rows_v.at[b], gsems[b])

        def gather_wait(cc, b):
            pltpu.make_async_copy(
                table_hbm.at[idx_v.at[pl.ds(cc * _CHUNK, _CHUNK)]],
                rows_v.at[b], gsems[b]).wait()

        def scatter_start(cc, b):
            pltpu.async_copy(rows_v.at[b],
                             out_hbm.at[pl.ds(base + cc * _CHUNK, _CHUNK)],
                             ssems[b])

        def scatter_wait(cc, b):
            pltpu.make_async_copy(rows_v.at[b],
                                  out_hbm.at[pl.ds(base + cc * _CHUNK,
                                                   _CHUNK)],
                                  ssems[b]).wait()

        pltpu.sync_copy(ids_hbm.at[pl.ds(base, b_per_w)], idx_v)
        off = wid * v

        @pl.loop(0, b_per_w // 16)
        def _off(i):
            sl = pl.ds(i * 16, 16)
            idx_v[sl] = idx_v[sl] + off

        gather_start(0, 0)
        gather_start(1, 1)

        @pl.loop(0, n_chunks - 2, step=2)
        def _chunk(c):
            for b in range(2):
                cc = c + b
                gather_wait(cc, b)
                scatter_start(cc, b)
                scatter_wait(cc, b)
                gather_start(cc + 2, b)

        for b in range(2):
            cc = n_chunks - 2 + b
            gather_wait(cc, b)
            scatter_start(cc, b)
        for b in range(2):
            scatter_wait(n_chunks - 2 + b, b)

    return k(ids_sc, tables)


def _expand_body(ids_ref, t_ref, prev_ref, o_ref):
    del prev_ref
    v = t_ref.shape[0]
    oh = (ids_ref[:] == lax.broadcasted_iota(jnp.int32, (_BLK, v), 1)
          ).astype(jnp.float32)
    o_ref[:] = lax.dot_general(oh, t_ref[:], (((1,), (0,)), ((), ())),
                               preferred_element_type=jnp.float32)


def _tc_expand_into(ids2, table, prev, n_sc, n_tok, d, v):
    n_tc = n_tok - n_sc
    blk0 = n_sc // _BLK
    return pl.pallas_call(
        _expand_body,
        grid=(n_tc // _BLK,),
        in_specs=[
            pl.BlockSpec((_BLK, 1), lambda i: (i, 0)),
            pl.BlockSpec((v, d), lambda i: (0, 0)),
            pl.BlockSpec(memory_space=pl.ANY),
        ],
        out_specs=pl.BlockSpec((_BLK, d), lambda i: (i + blk0, 0)),
        out_shape=jax.ShapeDtypeStruct((n_tok, d), jnp.float32),
        input_output_aliases={2: 0},
    )(ids2, table, prev)


def kernel(input_ids, complement_map, emb_weight, proj_weight, proj_bias):
    b, s = input_ids.shape
    v, d = emb_weight.shape
    h = proj_weight.shape[0]
    n_tok = b * s
    n_sc = (n_tok * _SC_FRAC_NUM // _SC_FRAC_DEN
            ) // (_NW * _CHUNK) * (_NW * _CHUNK)
    n_tc = n_tok - n_sc
    assert 2 * h == d and n_sc % _BLK == 0 and n_tc % _BLK == 0
    assert (n_sc // _NW) % _CHUNK == 0 and (n_sc // _NW // _CHUNK) % 2 == 0

    comp2 = complement_map.astype(jnp.int32).reshape(v, 1)
    bias2 = proj_bias.astype(jnp.float32).reshape(1, h)
    tables = _make_tables(emb_weight, comp2, proj_weight, bias2)

    ids = input_ids.astype(jnp.int32).reshape(n_tok)
    out_sc = _sc_gather(ids[:n_sc], tables, n_sc, n_tok, d, v)
    out = _tc_expand_into(ids[n_sc:].reshape(n_tc, 1), tables[:v], out_sc,
                          n_sc, n_tok, d, v)
    return out.reshape(b, s, d)

# --- scband reference (transcript-rebuilt; emitter-appended) ---
"""Pipeline reference for scband-rcpsembedding-62010737820066 (READ-ONLY COPY).

The authoritative reference and input builder live on the scoring server;
editing this copy changes nothing except your own understanding.
"""

import jax, jax.numpy as jnp
import numpy as np


def setup_inputs(seed: int = 0) -> dict:
    key = jax.random.key(seed)
    k_ids, k_emb, k_w = jax.random.split(key, 3)
    batch, seq_len = 4, 8192
    vocab_size, d_model = 16, 1024
    input_ids = jax.random.randint(k_ids, (batch, seq_len), 0, vocab_size, dtype=jnp.int64)
    # complement map per init_kwargs (A<->T, C<->G pairs at ids 7..10, rest map to self)
    complement_map = jnp.array([0, 1, 2, 3, 4, 5, 6, 10, 9, 8, 7, 11, 12, 13, 14, 15], dtype=jnp.int64)
    # learned params
    emb_weight = jax.random.normal(k_emb, (vocab_size, d_model), dtype=jnp.float32)
    kw1, kw2 = jax.random.split(k_w)
    proj_weight = jax.random.normal(kw1, (d_model // 2, d_model), dtype=jnp.float32) * 0.02
    proj_bias = jnp.zeros((d_model // 2,), dtype=jnp.float32)
    return {
        'input_ids': input_ids,
        'complement_map': complement_map,
        'emb_weight': emb_weight,
        'proj_weight': proj_weight,
        'proj_bias': proj_bias,
    }


def reference(input_ids, complement_map, emb_weight, proj_weight, proj_bias):
    # forward branch: embedding gather + linear proj to d_model//2
    fwd_emb = jnp.take(emb_weight, input_ids, axis=0)            # (B, S, d_model)
    fwd_out = fwd_emb @ proj_weight.T + proj_bias                 # (B, S, d_model//2)
    # reverse-complement branch: flip along length, complement ids
    rc_ids = jnp.take(complement_map, jnp.flip(input_ids, axis=-1), axis=0)
    rc_emb = jnp.take(emb_weight, rc_ids, axis=0)
    rc_proj = rc_emb @ proj_weight.T + proj_bias
    rc_out = jnp.flip(rc_proj, axis=(-2, -1))
    return jnp.concatenate([fwd_out, rc_out], axis=-1)            # (B, S, d_model)

if __name__ == "__main__":
    import jax
    _d = setup_inputs()
    print(jax.jit(kernel)(*tuple(_d.values())))

</pallas_src>

<mosaic_0001>
#map = affine_map<(d0, d1) -> (0)>
#map1 = affine_map<(d0, d1) -> (0, 0)>
module attributes {stable_mosaic.version = 14 : i64} {
  func.func @k(%arg0: i32, %arg1: i32, %arg2: memref<6144xi32, #tpu.memory_space<hbm>>, %arg3: memref<512x1024xf32, #tpu.memory_space<hbm>>, %arg4: memref<32768x1024xf32, #tpu.memory_space<hbm>>, %arg5: memref<192xi32, #tpu.memory_space<vmem>>, %arg6: memref<2x48x1024xf32, #tpu.memory_space<vmem>>, %arg7: memref<!tpu.dma_semaphore, #tpu.memory_space<semaphore_mem>>, %arg8: memref<!tpu.dma_semaphore, #tpu.memory_space<semaphore_mem>>, %arg9: memref<!tpu.dma_semaphore, #tpu.memory_space<semaphore_mem>>, %arg10: memref<!tpu.dma_semaphore, #tpu.memory_space<semaphore_mem>>) attributes {dimension_semantics = [#tpu.dimension_semantics<core_parallel>, #tpu.dimension_semantics<subcore_parallel>], iteration_bounds = array<i64: 2, 16>, scalar_prefetch = 0 : i64, scratch_operands = 6 : i64, tpu.core_type = #tpu.core_type<sc_vector_subcore>, window_params = [{transform_indices = #map}, {transform_indices = #map1}, {transform_indices = #map1}]} {
    %mul3A = arith.constant 2 : i32
    %mul3A_0 = arith.muli %arg1, %mul3A : i32
    %add3A = arith.addi %mul3A_0, %arg0 : i32
    %mul3A_1 = arith.constant 192 : i32
    %mul3A_2 = arith.muli %add3A, %mul3A_1 : i32
    "tpu.region"() ({
      %run_scoped3A = tpu.sem_alloc : memref<!tpu.dma_semaphore, #tpu.memory_space<semaphore_mem>>
      %dma_start3A_229 = tpu.memref_slice %arg2[%mul3A_2] : memref<6144xi32, #tpu.memory_space<hbm>> -> memref<192xi32, #tpu.memory_space<hbm>>
      %dma_start3A_230 = tpu.memref_slice %arg2[%mul3A_2] : memref<6144xi32, #tpu.memory_space<hbm>> -> memref<192xi32, #tpu.memory_space<hbm>>
      tpu.enqueue_dma source(%dma_start3A_230 : memref<192xi32, #tpu.memory_space<hbm>>) target(%arg5 : memref<192xi32, #tpu.memory_space<vmem>>) target_semaphore(%run_scoped3A : memref<!tpu.dma_semaphore, #tpu.memory_space<semaphore_mem>>)
      %dma_wait3A_231 = tpu.memref_slice %arg2[%mul3A_2] : memref<6144xi32, #tpu.memory_space<hbm>> -> memref<192xi32, #tpu.memory_space<hbm>>
      %dma_wait3A_232 = tpu.memref_slice %arg2[%mul3A_2] : memref<6144xi32, #tpu.memory_space<hbm>> -> memref<192xi32, #tpu.memory_space<hbm>>
      tpu.wait_dma2 semaphore(%run_scoped3A : memref<!tpu.dma_semaphore, #tpu.memory_space<semaphore_mem>>) src(%dma_wait3A_232 : memref<192xi32, #tpu.memory_space<hbm>>) dst(%arg5 : memref<192xi32, #tpu.memory_space<vmem>>)
      tpu.yield
    }) : () -> ()
    %mul3A_3 = arith.constant 16 : i32
    %mul3A_4 = arith.muli %add3A, %mul3A_3 : i32
    %scan3A = arith.constant 0 : i32
    %scan3A_5 = arith.constant 12 : i32
    %scan3A_6 = arith.addi %scan3A, %scan3A_5 : i32
    %scan3A_7 = arith.constant 1 : i32
    scf.for %scan3A_229 = %scan3A to %scan3A_6 step %scan3A_7  : i32 {
      %mul3A_230 = arith.constant 1 : i32
      %mul3A_231 = arith.muli %scan3A_229, %mul3A_230 : i32
      %add3A_232 = arith.constant 0 : i32
      %add3A_233 = arith.addi %add3A_232, %mul3A_231 : i32
      %mul3A_234 = arith.constant 16 : i32
      %mul3A_235 = arith.muli %add3A_233, %mul3A_234 : i32
      %get3A = arith.index_cast %mul3A_235 : i32 to index
      %get3A_236 = tpu.vector_load %arg5[%get3A] {strides = array<i32>} : memref<192xi32, #tpu.memory_space<vmem>>, vector<16xi32>,
      %get3A_237 = vector.shape_cast %get3A_236 : vector<16xi32> to vector<16xi32>
      %add3A_238 = vector.broadcast %mul3A_4 : i32 to vector<16xi32>
      %add3A_239 = arith.addi %get3A_237, %add3A_238 : vector<16xi32>
      %swap3A = arith.index_cast %mul3A_235 : i32 to index
      %swap3A_240 = tpu.vector_load %arg5[%swap3A] {strides = array<i32>} : memref<192xi32, #tpu.memory_space<vmem>>, vector<16xi32>,
      %swap3A_241 = vector.shape_cast %swap3A_240 : vector<16xi32> to vector<16xi32>
      %swap3A_242 = vector.shape_cast %add3A_239 : vector<16xi32> to vector<16xi32>
      tpu.vector_store %arg5[%swap3A], %swap3A_242 {strides = array<i32>} : memref<192xi32, #tpu.memory_space<vmem>>, vector<16xi32>,
    }
    %scan3A_8 = arith.constant 12 : i32
    %dma_start3A = arith.constant 0 : i32
    %dma_start3A_9 = arith.constant 0 : i32
    %dma_start3A_10 = arith.constant 0 : i32
    %dma_start3A_11 = tpu.memref_slice %arg6[%dma_start3A, %dma_start3A_9, %dma_start3A_10] : memref<2x48x1024xf32, #tpu.memory_space<vmem>> -> memref<1x48x1024xf32, #tpu.memory_space<vmem>>
    %dma_start3A_12 = tpu.memref_squeeze %dma_start3A_11 : memref<1x48x1024xf32, #tpu.memory_space<vmem>> -> memref<48x1024xf32, #tpu.memory_space<vmem>>
    %dma_start3A_13 = arith.constant 0 : i32
    %dma_start3A_14 = tpu.memref_slice %arg5[%dma_start3A_13] : memref<192xi32, #tpu.memory_space<vmem>> -> memref<48xi32, #tpu.memory_space<vmem>>
    %dma_start3A_15 = arith.constant 0 : i32
    %dma_start3A_16 = arith.constant 0 : i32
    %dma_start3A_17 = tpu.memref_slice %arg3[%dma_start3A_15, %dma_start3A_16] : memref<512x1024xf32, #tpu.memory_space<hbm>> -> memref<512x1024xf32, #tpu.memory_space<hbm>>
    tpu.enqueue_indirect_dma source(%dma_start3A_17 : memref<512x1024xf32, #tpu.memory_space<hbm>>) target(%dma_start3A_12 : memref<48x1024xf32, #tpu.memory_space<vmem>>) offsets(%dma_start3A_14 : memref<48xi32, #tpu.memory_space<vmem>>) semaphore(%arg7 : memref<!tpu.dma_semaphore, #tpu.memory_space<semaphore_mem>>)
    %dma_start3A_18 = arith.constant 1 : i32
    %dma_start3A_19 = arith.constant 0 : i32
    %dma_start3A_20 = arith.constant 0 : i32
    %dma_start3A_21 = tpu.memref_slice %arg6[%dma_start3A_18, %dma_start3A_19, %dma_start3A_20] : memref<2x48x1024xf32, #tpu.memory_space<vmem>> -> memref<1x48x1024xf32, #tpu.memory_space<vmem>>
    %dma_start3A_22 = tpu.memref_squeeze %dma_start3A_21 : memref<1x48x1024xf32, #tpu.memory_space<vmem>> -> memref<48x1024xf32, #tpu.memory_space<vmem>>
    %dma_start3A_23 = arith.constant 48 : i32
    %dma_start3A_24 = tpu.memref_slice %arg5[%dma_start3A_23] : memref<192xi32, #tpu.memory_space<vmem>> -> memref<48xi32, #tpu.memory_space<vmem>>
    %dma_start3A_25 = arith.constant 0 : i32
    %dma_start3A_26 = arith.constant 0 : i32
    %dma_start3A_27 = tpu.memref_slice %arg3[%dma_start3A_25, %dma_start3A_26] : memref<512x1024xf32, #tpu.memory_space<hbm>> -> memref<512x1024xf32, #tpu.memory_space<hbm>>
    tpu.enqueue_indirect_dma source(%dma_start3A_27 : memref<512x1024xf32, #tpu.memory_space<hbm>>) target(%dma_start3A_22 : memref<48x1024xf32, #tpu.memory_space<vmem>>) offsets(%dma_start3A_24 : memref<48xi32, #tpu.memory_space<vmem>>) semaphore(%arg8 : memref<!tpu.dma_semaphore, #tpu.memory_space<semaphore_mem>>)
    %scan3A_28 = arith.constant 0 : i32
    %mul3A_29 = arith.constant 2 : i32
    %mul3A_30 = arith.muli %scan3A_28, %mul3A_29 : i32
    %add3A_31 = arith.constant 0 : i32
    %add3A_32 = arith.addi %add3A_31, %mul3A_30 : i32
    %add3A_33 = arith.constant 0 : i32
    %add3A_34 = arith.addi %add3A_32, %add3A_33 : i32
    %mul3A_35 = arith.constant 48 : i32
    %mul3A_36 = arith.muli %add3A_34, %mul3A_35 : i32
    %dma_wait3A = arith.constant 0 : i32
    %dma_wait3A_37 = arith.constant 0 : i32
    %dma_wait3A_38 = arith.constant 0 : i32
    %dma_wait3A_39 = tpu.memref_slice %arg6[%dma_wait3A, %dma_wait3A_37, %dma_wait3A_38] : memref<2x48x1024xf32, #tpu.memory_space<vmem>> -> memref<1x48x1024xf32, #tpu.memory_space<vmem>>
    %dma_wait3A_40 = tpu.memref_squeeze %dma_wait3A_39 : memref<1x48x1024xf32, #tpu.memory_space<vmem>> -> memref<48x1024xf32, #tpu.memory_space<vmem>>
    %dma_wait3A_41 = tpu.memref_slice %arg5[%mul3A_36] : memref<192xi32, #tpu.memory_space<vmem>> -> memref<48xi32, #tpu.memory_space<vmem>>
    %dma_wait3A_42 = arith.constant 0 : i32
    %dma_wait3A_43 = arith.constant 0 : i32
    %dma_wait3A_44 = tpu.memref_slice %arg3[%dma_wait3A_42, %dma_wait3A_43] : memref<512x1024xf32, #tpu.memory_space<hbm>> -> memref<512x1024xf32, #tpu.memory_space<hbm>>
    tpu.wait_indirect_dma semaphore(%arg7 : memref<!tpu.dma_semaphore, #tpu.memory_space<semaphore_mem>>) src(%dma_wait3A_44 : memref<512x1024xf32, #tpu.memory_space<hbm>>) dst(%dma_wait3A_40 : memref<48x1024xf32, #tpu.memory_space<vmem>>)
    %mul3A_45 = arith.constant 48 : i32
    %mul3A_46 = arith.muli %add3A_34, %mul3A_45 : i32
    %add3A_47 = arith.addi %mul3A_2, %mul3A_46 : i32
    %dma_start3A_48 = arith.constant 0 : i32
    %dma_start3A_49 = arith.constant 0 : i32
    %dma_start3A_50 = arith.constant 0 : i32
    %dma_start3A_51 = tpu.memref_slice %arg6[%dma_start3A_48, %dma_start3A_49, %dma_start3A_50] : memref<2x48x1024xf32, #tpu.memory_space<vmem>> -> memref<1x48x1024xf32, #tpu.memory_space<vmem>>
    %dma_start3A_52 = tpu.memref_squeeze %dma_start3A_51 : memref<1x48x1024xf32, #tpu.memory_space<vmem>> -> memref<48x1024xf32, #tpu.memory_space<vmem>>
    %dma_start3A_53 = arith.constant 0 : i32
    %dma_start3A_54 = tpu.memref_slice %arg4[%add3A_47, %dma_start3A_53] : memref<32768x1024xf32, #tpu.memory_space<hbm>> -> memref<48x1024xf32, #tpu.memory_space<hbm>>
    %dma_start3A_55 = arith.constant 0 : i32
    %dma_start3A_56 = tpu.memref_slice %arg4[%add3A_47, %dma_start3A_55] : memref<32768x1024xf32, #tpu.memory_space<hbm>> -> memref<48x1024xf32, #tpu.memory_space<hbm>>
    %dma_start3A_57 = arith.constant 0 : i32
    %dma_start3A_58 = arith.constant 0 : i32
    %dma_start3A_59 = tpu.memref_slice %arg6[%dma_start3A_48, %dma_start3A_57, %dma_start3A_58] : memref<2x48x1024xf32, #tpu.memory_space<vmem>> -> memref<1x48x1024xf32, #tpu.memory_space<vmem>>
    %dma_start3A_60 = tpu.memref_squeeze %dma_start3A_59 : memref<1x48x1024xf32, #tpu.memory_space<vmem>> -> memref<48x1024xf32, #tpu.memory_space<vmem>>
    tpu.enqueue_dma source(%dma_start3A_60 : memref<48x1024xf32, #tpu.memory_space<vmem>>) target(%dma_start3A_56 : memref<48x1024xf32, #tpu.memory_space<hbm>>) target_semaphore(%arg9 : memref<!tpu.dma_semaphore, #tpu.memory_space<semaphore_mem>>)
    %mul3A_61 = arith.constant 48 : i32
    %mul3A_62 = arith.muli %add3A_34, %mul3A_61 : i32
    %add3A_63 = arith.addi %mul3A_2, %mul3A_62 : i32
    %dma_wait3A_64 = arith.constant 0 : i32
    %dma_wait3A_65 = arith.constant 0 : i32
    %dma_wait3A_66 = arith.constant 0 : i32
    %dma_wait3A_67 = tpu.memref_slice %arg6[%dma_wait3A_64, %dma_wait3A_65, %dma_wait3A_66] : memref<2x48x1024xf32, #tpu.memory_space<vmem>> -> memref<1x48x1024xf32, #tpu.memory_space<vmem>>
    %dma_wait3A_68 = tpu.memref_squeeze %dma_wait3A_67 : memref<1x48x1024xf32, #tpu.memory_space<vmem>> -> memref<48x1024xf32, #tpu.memory_space<vmem>>
    %dma_wait3A_69 = arith.constant 0 : i32
    %dma_wait3A_70 = tpu.memref_slice %arg4[%add3A_63, %dma_wait3A_69] : memref<32768x1024xf32, #tpu.memory_space<hbm>> -> memref<48x1024xf32, #tpu.memory_space<hbm>>
    %dma_wait3A_71 = arith.constant 0 : i32
    %dma_wait3A_72 = tpu.memref_slice %arg4[%add3A_63, %dma_wait3A_71] : memref<32768x1024xf32, #tpu.memory_space<hbm>> -> memref<48x1024xf32, #tpu.memory_space<hbm>>
    %dma_wait3A_73 = arith.constant 0 : i32
    %dma_wait3A_74 = arith.constant 0 : i32
    %dma_wait3A_75 = tpu.memref_slice %arg6[%dma_wait3A_64, %dma_wait3A_73, %dma_wait3A_74] : memref<2x48x1024xf32, #tpu.memory_space<vmem>> -> memref<1x48x1024xf32, #tpu.memory_space<vmem>>
    %dma_wait3A_76 = tpu.memref_squeeze %dma_wait3A_75 : memref<1x48x1024xf32, #tpu.memory_space<vmem>> -> memref<48x1024xf32, #tpu.memory_space<vmem>>
    tpu.wait_dma2 semaphore(%arg9 : memref<!tpu.dma_semaphore, #tpu.memory_space<semaphore_mem>>) src(%dma_wait3A_76 : memref<48x1024xf32, #tpu.memory_space<vmem>>) dst(%dma_wait3A_72 : memref<48x1024xf32, #tpu.memory_space<hbm>>)
    %add3A_77 = arith.constant 2 : i32
    %add3A_78 = arith.addi %add3A_34, %add3A_77 : i32
    %mul3A_79 = arith.constant 48 : i32
    %mul3A_80 = arith.muli %add3A_78, %mul3A_79 : i32
    %dma_start3A_81 = arith.constant 0 : i32
    %dma_start3A_82 = arith.constant 0 : i32
    %dma_start3A_83 = arith.constant 0 : i32
    %dma_start3A_84 = tpu.memref_slice %arg6[%dma_start3A_81, %dma_start3A_82, %dma_start3A_83] : memref<2x48x1024xf32, #tpu.memory_space<vmem>> -> memref<1x48x1024xf32, #tpu.memory_space<vmem>>
    %dma_start3A_85 = tpu.memref_squeeze %dma_start3A_84 : memref<1x48x1024xf32, #tpu.memory_space<vmem>> -> memref<48x1024xf32, #tpu.memory_space<vmem>>
    %dma_start3A_86 = tpu.memref_slice %arg5[%mul3A_80] : memref<192xi32, #tpu.memory_space<vmem>> -> memref<48xi32, #tpu.memory_space<vmem>>
    %dma_start3A_87 = arith.constant 0 : i32
    %dma_start3A_88 = arith.constant 0 : i32
    %dma_start3A_89 = tpu.memref_slice %arg3[%dma_start3A_87, %dma_start3A_88] : memref<512x1024xf32, #tpu.memory_space<hbm>> -> memref<512x1024xf32, #tpu.memory_space<hbm>>
    tpu.enqueue_indirect_dma source(%dma_start3A_89 : memref<512x1024xf32, #tpu.memory_space<hbm>>) target(%dma_start3A_85 : memref<48x1024xf32, #tpu.memory_space<vmem>>) offsets(%dma_start3A_86 : memref<48xi32, #tpu.memory_space<vmem>>) semaphore(%arg7 : memref<!tpu.dma_semaphore, #tpu.memory_space<semaphore_mem>>)
    %add3A_90 = arith.constant 1 : i32
    %add3A_91 = arith.addi %add3A_32, %add3A_90 : i32
    %mul3A_92 = arith.constant 48 : i32
    %mul3A_93 = arith.muli %add3A_91, %mul3A_92 : i32
    %dma_wait3A_94 = arith.constant 1 : i32
    %dma_wait3A_95 = arith.constant 0 : i32
    %dma_wait3A_96 = arith.constant 0 : i32
    %dma_wait3A_97 = tpu.memref_slice %arg6[%dma_wait3A_94, %dma_wait3A_95, %dma_wait3A_96] : memref<2x48x1024xf32, #tpu.memory_space<vmem>> -> memref<1x48x1024xf32, #tpu.memory_space<vmem>>
    %dma_wait3A_98 = tpu.memref_squeeze %dma_wait3A_97 : memref<1x48x1024xf32, #tpu.memory_space<vmem>> -> memref<48x1024xf32, #tpu.memory_space<vmem>>
    %dma_wait3A_99 = tpu.memref_slice %arg5[%mul3A_93] : memref<192xi32, #tpu.memory_space<vmem>> -> memref<48xi32, #tpu.memory_space<vmem>>
    %dma_wait3A_100 = arith.constant 0 : i32
    %dma_wait3A_101 = arith.constant 0 : i32
    %dma_wait3A_102 = tpu.memref_slice %arg3[%dma_wait3A_100, %dma_wait3A_101] : memref<512x1024xf32, #tpu.memory_space<hbm>> -> memref<512x1024xf32, #tpu.memory_space<hbm>>
    tpu.wait_indirect_dma semaphore(%arg8 : memref<!tpu.dma_semaphore, #tpu.memory_space<semaphore_mem>>) src(%dma_wait3A_102 : memref<512x1024xf32, #tpu.memory_space<hbm>>) dst(%dma_wait3A_98 : memref<48x1024xf32, #tpu.memory_space<vmem>>)
    %mul3A_103 = arith.constant 48 : i32
    %mul3A_104 = arith.muli %add3A_91, %mul3A_103 : i32
    %add3A_105 = arith.addi %mul3A_2, %mul3A_104 : i32
    %dma_start3A_106 = arith.constant 1 : i32
    %dma_start3A_107 = arith.constant 0 : i32
    %dma_start3A_108 = arith.constant 0 : i32
    %dma_start3A_109 = tpu.memref_slice %arg6[%dma_start3A_106, %dma_start3A_107, %dma_start3A_108] : memref<2x48x1024xf32, #tpu.memory_space<vmem>> -> memref<1x48x1024xf32, #tpu.memory_space<vmem>>
    %dma_start3A_110 = tpu.memref_squeeze %dma_start3A_109 : memref<1x48x1024xf32, #tpu.memory_space<vmem>> -> memref<48x1024xf32, #tpu.memory_space<vmem>>
    %dma_start3A_111 = arith.constant 0 : i32
    %dma_start3A_112 = tpu.memref_slice %arg4[%add3A_105, %dma_start3A_111] : memref<32768x1024xf32, #tpu.memory_space<hbm>> -> memref<48x1024xf32, #tpu.memory_space<hbm>>
    %dma_start3A_113 = arith.constant 0 : i32
    %dma_start3A_114 = tpu.memref_slice %arg4[%add3A_105, %dma_start3A_113] : memref<32768x1024xf32, #tpu.memory_space<hbm>> -> memref<48x1024xf32, #tpu.memory_space<hbm>>
    %dma_start3A_115 = arith.constant 0 : i32
    %dma_start3A_116 = arith.constant 0 : i32
    %dma_start3A_117 = tpu.memref_slice %arg6[%dma_start3A_106, %dma_start3A_115, %dma_start3A_116] : memref<2x48x1024xf32, #tpu.memory_space<vmem>> -> memref<1x48x1024xf32, #tpu.memory_space<vmem>>
    %dma_start3A_118 = tpu.memref_squeeze %dma_start3A_117 : memref<1x48x1024xf32, #tpu.memory_space<vmem>> -> memref<48x1024xf32, #tpu.memory_space<vmem>>
    tpu.enqueue_dma source(%dma_start3A_118 : memref<48x1024xf32, #tpu.memory_space<vmem>>) target(%dma_start3A_114 : memref<48x1024xf32, #tpu.memory_space<hbm>>) target_semaphore(%arg10 : memref<!tpu.dma_semaphore, #tpu.memory_space<semaphore_mem>>)
    %mul3A_119 = arith.constant 48 : i32
    %mul3A_120 = arith.muli %add3A_91, %mul3A_119 : i32
    %add3A_121 = arith.addi %mul3A_2, %mul3A_120 : i32
    %dma_wait3A_122 = arith.constant 1 : i32
    %dma_wait3A_123 = arith.constant 0 : i32
    %dma_wait3A_124 = arith.constant 0 : i32
    %dma_wait3A_125 = tpu.memref_slice %arg6[%dma_wait3A_122, %dma_wait3A_123, %dma_wait3A_124] : memref<2x48x1024xf32, #tpu.memory_space<vmem>> -> memref<1x48x1024xf32, #tpu.memory_space<vmem>>
    %dma_wait3A_126 = tpu.memref_squeeze %dma_wait3A_125 : memref<1x48x1024xf32, #tpu.memory_space<vmem>> -> memref<48x1024xf32, #tpu.memory_space<vmem>>
    %dma_wait3A_127 = arith.constant 0 : i32
    %dma_wait3A_128 = tpu.memref_slice %arg4[%add3A_121, %dma_wait3A_127] : memref<32768x1024xf32, #tpu.memory_space<hbm>> -> memref<48x1024xf32, #tpu.memory_space<hbm>>
    %dma_wait3A_129 = arith.constant 0 : i32
    %dma_wait3A_130 = tpu.memref_slice %arg4[%add3A_121, %dma_wait3A_129] : memref<32768x1024xf32, #tpu.memory_space<hbm>> -> memref<48x1024xf32, #tpu.memory_space<hbm>>
    %dma_wait3A_131 = arith.constant 0 : i32
    %dma_wait3A_132 = arith.constant 0 : i32
    %dma_wait3A_133 = tpu.memref_slice %arg6[%dma_wait3A_122, %dma_wait3A_131, %dma_wait3A_132] : memref<2x48x1024xf32, #tpu.memory_space<vmem>> -> memref<1x48x1024xf32, #tpu.memory_space<vmem>>
    %dma_wait3A_134 = tpu.memref_squeeze %dma_wait3A_133 : memref<1x48x1024xf32, #tpu.memory_space<vmem>> -> memref<48x1024xf32, #tpu.memory_space<vmem>>
    tpu.wait_dma2 semaphore(%arg10 : memref<!tpu.dma_semaphore, #tpu.memory_space<semaphore_mem>>) src(%dma_wait3A_134 : memref<48x1024xf32, #tpu.memory_space<vmem>>) dst(%dma_wait3A_130 : memref<48x1024xf32, #tpu.memory_space<hbm>>)
    %add3A_135 = arith.constant 2 : i32
    %add3A_136 = arith.addi %add3A_91, %add3A_135 : i32
    %mul3A_137 = arith.constant 48 : i32
    %mul3A_138 = arith.muli %add3A_136, %mul3A_137 : i32
    %dma_start3A_139 = arith.constant 1 : i32
    %dma_start3A_140 = arith.constant 0 : i32
    %dma_start3A_141 = arith.constant 0 : i32
    %dma_start3A_142 = tpu.memref_slice %arg6[%dma_start3A_139, %dma_start3A_140, %dma_start3A_141] : memref<2x48x1024xf32, #tpu.memory_space<vmem>> -> memref<1x48x1024xf32, #tpu.memory_space<vmem>>
    %dma_start3A_143 = tpu.memref_squeeze %dma_start3A_142 : memref<1x48x1024xf32, #tpu.memory_space<vmem>> -> memref<48x1024xf32, #tpu.memory_space<vmem>>
    %dma_start3A_144 = tpu.memref_slice %arg5[%mul3A_138] : memref<192xi32, #tpu.memory_space<vmem>> -> memref<48xi32, #tpu.memory_space<vmem>>
    %dma_start3A_145 = arith.constant 0 : i32
    %dma_start3A_146 = arith.constant 0 : i32
    %dma_start3A_147 = tpu.memref_slice %arg3[%dma_start3A_145, %dma_start3A_146] : memref<512x1024xf32, #tpu.memory_space<hbm>> -> memref<512x1024xf32, #tpu.memory_space<hbm>>
    tpu.enqueue_indirect_dma source(%dma_start3A_147 : memref<512x1024xf32, #tpu.memory_space<hbm>>) target(%dma_start3A_143 : memref<48x1024xf32, #tpu.memory_space<vmem>>) offsets(%dma_start3A_144 : memref<48xi32, #tpu.memory_space<vmem>>) semaphore(%arg8 : memref<!tpu.dma_semaphore, #tpu.memory_space<semaphore_mem>>)
    %scan3A_148 = arith.constant 1 : i32
    %dma_wait3A_149 = arith.constant 0 : i32
    %dma_wait3A_150 = arith.constant 0 : i32
    %dma_wait3A_151 = arith.constant 0 : i32
    %dma_wait3A_152 = tpu.memref_slice %arg6[%dma_wait3A_149, %dma_wait3A_150, %dma_wait3A_151] : memref<2x48x1024xf32, #tpu.memory_space<vmem>> -> memref<1x48x1024xf32, #tpu.memory_space<vmem>>
    %dma_wait3A_153 = tpu.memref_squeeze %dma_wait3A_152 : memref<1x48x1024xf32, #tpu.memory_space<vmem>> -> memref<48x1024xf32, #tpu.memory_space<vmem>>
    %dma_wait3A_154 = arith.constant 96 : i32
    %dma_wait3A_155 = tpu.memref_slice %arg5[%dma_wait3A_154] : memref<192xi32, #tpu.memory_space<vmem>> -> memref<48xi32, #tpu.memory_space<vmem>>
    %dma_wait3A_156 = arith.constant 0 : i32
    %dma_wait3A_157 = arith.constant 0 : i32
    %dma_wait3A_158 = tpu.memref_slice %arg3[%dma_wait3A_156, %dma_wait3A_157] : memref<512x1024xf32, #tpu.memory_space<hbm>> -> memref<512x1024xf32, #tpu.memory_space<hbm>>
    tpu.wait_indirect_dma semaphore(%arg7 : memref<!tpu.dma_semaphore, #tpu.memory_space<semaphore_mem>>) src(%dma_wait3A_158 : memref<512x1024xf32, #tpu.memory_space<hbm>>) dst(%dma_wait3A_153 : memref<48x1024xf32, #tpu.memory_space<vmem>>)
    %add3A_159 = arith.constant 96 : i32
    %add3A_160 = arith.addi %mul3A_2, %add3A_159 : i32
    %dma_start3A_161 = arith.constant 0 : i32
    %dma_start3A_162 = arith.constant 0 : i32
    %dma_start3A_163 = arith.constant 0 : i32
    %dma_start3A_164 = tpu.memref_slice %arg6[%dma_start3A_161, %dma_start3A_162, %dma_start3A_163] : memref<2x48x1024xf32, #tpu.memory_space<vmem>> -> memref<1x48x1024xf32, #tpu.memory_space<vmem>>
    %dma_start3A_165 = tpu.memref_squeeze %dma_start3A_164 : memref<1x48x1024xf32, #tpu.memory_space<vmem>> -> memref<48x1024xf32, #tpu.memory_space<vmem>>
    %dma_start3A_166 = arith.constant 0 : i32
    %dma_start3A_167 = tpu.memref_slice %arg4[%add3A_160, %dma_start3A_166] : memref<32768x1024xf32, #tpu.memory_space<hbm>> -> memref<48x1024xf32, #tpu.memory_space<hbm>>
    %dma_start3A_168 = arith.constant 0 : i32
    %dma_start3A_169 = tpu.memref_slice %arg4[%add3A_160, %dma_start3A_168] : memref<32768x1024xf32, #tpu.memory_space<hbm>> -> memref<48x1024xf32, #tpu.memory_space<hbm>>
    %dma_start3A_170 = arith.constant 0 : i32
    %dma_start3A_171 = arith.constant 0 : i32
    %dma_start3A_172 = tpu.memref_slice %arg6[%dma_start3A_161, %dma_start3A_170, %dma_start3A_171] : memref<2x48x1024xf32, #tpu.memory_space<vmem>> -> memref<1x48x1024xf32, #tpu.memory_space<vmem>>
    %dma_start3A_173 = tpu.memref_squeeze %dma_start3A_172 : memref<1x48x1024xf32, #tpu.memory_space<vmem>> -> memref<48x1024xf32, #tpu.memory_space<vmem>>
    tpu.enqueue_dma source(%dma_start3A_173 : memref<48x1024xf32, #tpu.memory_space<vmem>>) target(%dma_start3A_169 : memref<48x1024xf32, #tpu.memory_space<hbm>>) target_semaphore(%arg9 : memref<!tpu.dma_semaphore, #tpu.memory_space<semaphore_mem>>)
    %dma_wait3A_174 = arith.constant 1 : i32
    %dma_wait3A_175 = arith.constant 0 : i32
    %dma_wait3A_176 = arith.constant 0 : i32
    %dma_wait3A_177 = tpu.memref_slice %arg6[%dma_wait3A_174, %dma_wait3A_175, %dma_wait3A_176] : memref<2x48x1024xf32, #tpu.memory_space<vmem>> -> memref<1x48x1024xf32, #tpu.memory_space<vmem>>
    %dma_wait3A_178 = tpu.memref_squeeze %dma_wait3A_177 : memref<1x48x1024xf32, #tpu.memory_space<vmem>> -> memref<48x1024xf32, #tpu.memory_space<vmem>>
    %dma_wait3A_179 = arith.constant 144 : i32
    %dma_wait3A_180 = tpu.memref_slice %arg5[%dma_wait3A_179] : memref<192xi32, #tpu.memory_space<vmem>> -> memref<48xi32, #tpu.memory_space<vmem>>
    %dma_wait3A_181 = arith.constant 0 : i32
    %dma_wait3A_182 = arith.constant 0 : i32
    %dma_wait3A_183 = tpu.memref_slice %arg3[%dma_wait3A_181, %dma_wait3A_182] : memref<512x1024xf32, #tpu.memory_space<hbm>> -> memref<512x1024xf32, #tpu.memory_space<hbm>>
    tpu.wait_indirect_dma semaphore(%arg8 : memref<!tpu.dma_semaphore, #tpu.memory_space<semaphore_mem>>) src(%dma_wait3A_183 : memref<512x1024xf32, #tpu.memory_space<hbm>>) dst(%dma_wait3A_178 : memref<48x1024xf32, #tpu.memory_space<vmem>>)
    %add3A_184 = arith.constant 144 : i32
    %add3A_185 = arith.addi %mul3A_2, %add3A_184 : i32
    %dma_start3A_186 = arith.constant 1 : i32
    %dma_start3A_187 = arith.constant 0 : i32
    %dma_start3A_188 = arith.constant 0 : i32
    %dma_start3A_189 = tpu.memref_slice %arg6[%dma_start3A_186, %dma_start3A_187, %dma_start3A_188] : memref<2x48x1024xf32, #tpu.memory_space<vmem>> -> memref<1x48x1024xf32, #tpu.memory_space<vmem>>
    %dma_start3A_190 = tpu.memref_squeeze %dma_start3A_189 : memref<1x48x1024xf32, #tpu.memory_space<vmem>> -> memref<48x1024xf32, #tpu.memory_space<vmem>>
    %dma_start3A_191 = arith.constant 0 : i32
    %dma_start3A_192 = tpu.memref_slice %arg4[%add3A_185, %dma_start3A_191] : memref<32768x1024xf32, #tpu.memory_space<hbm>> -> memref<48x1024xf32, #tpu.memory_space<hbm>>
    %dma_start3A_193 = arith.constant 0 : i32
    %dma_start3A_194 = tpu.memref_slice %arg4[%add3A_185, %dma_start3A_193] : memref<32768x1024xf32, #tpu.memory_space<hbm>> -> memref<48x1024xf32, #tpu.memory_space<hbm>>
    %dma_start3A_195 = arith.constant 0 : i32
    %dma_start3A_196 = arith.constant 0 : i32
    %dma_start3A_197 = tpu.memref_slice %arg6[%dma_start3A_186, %dma_start3A_195, %dma_start3A_196] : memref<2x48x1024xf32, #tpu.memory_space<vmem>> -> memref<1x48x1024xf32, #tpu.memory_space<vmem>>
    %dma_start3A_198 = tpu.memref_squeeze %dma_start3A_197 : memref<1x48x1024xf32, #tpu.memory_space<vmem>> -> memref<48x1024xf32, #tpu.memory_space<vmem>>
    tpu.enqueue_dma source(%dma_start3A_198 : memref<48x1024xf32, #tpu.memory_space<vmem>>) target(%dma_start3A_194 : memref<48x1024xf32, #tpu.memory_space<hbm>>) target_semaphore(%arg10 : memref<!tpu.dma_semaphore, #tpu.memory_space<semaphore_mem>>)
    %add3A_199 = arith.constant 96 : i32
    %add3A_200 = arith.addi %mul3A_2, %add3A_199 : i32
    %dma_wait3A_201 = arith.constant 0 : i32
    %dma_wait3A_202 = arith.constant 0 : i32
    %dma_wait3A_203 = arith.constant 0 : i32
    %dma_wait3A_204 = tpu.memref_slice %arg6[%dma_wait3A_201, %dma_wait3A_202, %dma_wait3A_203] : memref<2x48x1024xf32, #tpu.memory_space<vmem>> -> memref<1x48x1024xf32, #tpu.memory_space<vmem>>
    %dma_wait3A_205 = tpu.memref_squeeze %dma_wait3A_204 : memref<1x48x1024xf32, #tpu.memory_space<vmem>> -> memref<48x1024xf32, #tpu.memory_space<vmem>>
    %dma_wait3A_206 = arith.constant 0 : i32
    %dma_wait3A_207 = tpu.memref_slice %arg4[%add3A_200, %dma_wait3A_206] : memref<32768x1024xf32, #tpu.memory_space<hbm>> -> memref<48x1024xf32, #tpu.memory_space<hbm>>
    %dma_wait3A_208 = arith.constant 0 : i32
    %dma_wait3A_209 = tpu.memref_slice %arg4[%add3A_200, %dma_wait3A_208] : memref<32768x1024xf32, #tpu.memory_space<hbm>> -> memref<48x1024xf32, #tpu.memory_space<hbm>>
    %dma_wait3A_210 = arith.constant 0 : i32
    %dma_wait3A_211 = arith.constant 0 : i32
    %dma_wait3A_212 = tpu.memref_slice %arg6[%dma_wait3A_201, %dma_wait3A_210, %dma_wait3A_211] : memref<2x48x1024xf32, #tpu.memory_space<vmem>> -> memref<1x48x1024xf32, #tpu.memory_space<vmem>>
    %dma_wait3A_213 = tpu.memref_squeeze %dma_wait3A_212 : memref<1x48x1024xf32, #tpu.memory_space<vmem>> -> memref<48x1024xf32, #tpu.memory_space<vmem>>
    tpu.wait_dma2 semaphore(%arg9 : memref<!tpu.dma_semaphore, #tpu.memory_space<semaphore_mem>>) src(%dma_wait3A_213 : memref<48x1024xf32, #tpu.memory_space<vmem>>) dst(%dma_wait3A_209 : memref<48x1024xf32, #tpu.memory_space<hbm>>)
    %add3A_214 = arith.constant 144 : i32
    %add3A_215 = arith.addi %mul3A_2, %add3A_214 : i32
    %dma_wait3A_216 = arith.constant 1 : i32
    %dma_wait3A_217 = arith.constant 0 : i32
    %dma_wait3A_218 = arith.constant 0 : i32
    %dma_wait3A_219 = tpu.memref_slice %arg6[%dma_wait3A_216, %dma_wait3A_217, %dma_wait3A_218] : memref<2x48x1024xf32, #tpu.memory_space<vmem>> -> memref<1x48x1024xf32, #tpu.memory_space<vmem>>
    %dma_wait3A_220 = tpu.memref_squeeze %dma_wait3A_219 : memref<1x48x1024xf32, #tpu.memory_space<vmem>> -> memref<48x1024xf32, #tpu.memory_space<vmem>>
    %dma_wait3A_221 = arith.constant 0 : i32
    %dma_wait3A_222 = tpu.memref_slice %arg4[%add3A_215, %dma_wait3A_221] : memref<32768x1024xf32, #tpu.memory_space<hbm>> -> memref<48x1024xf32, #tpu.memory_space<hbm>>
    %dma_wait3A_223 = arith.constant 0 : i32
    %dma_wait3A_224 = tpu.memref_slice %arg4[%add3A_215, %dma_wait3A_223] : memref<32768x1024xf32, #tpu.memory_space<hbm>> -> memref<48x1024xf32, #tpu.memory_space<hbm>>
    %dma_wait3A_225 = arith.constant 0 : i32
    %dma_wait3A_226 = arith.constant 0 : i32
    %dma_wait3A_227 = tpu.memref_slice %arg6[%dma_wait3A_216, %dma_wait3A_225, %dma_wait3A_226] : memref<2x48x1024xf32, #tpu.memory_space<vmem>> -> memref<1x48x1024xf32, #tpu.memory_space<vmem>>
    %dma_wait3A_228 = tpu.memref_squeeze %dma_wait3A_227 : memref<1x48x1024xf32, #tpu.memory_space<vmem>> -> memref<48x1024xf32, #tpu.memory_space<vmem>>
    tpu.wait_dma2 semaphore(%arg10 : memref<!tpu.dma_semaphore, #tpu.memory_space<semaphore_mem>>) src(%dma_wait3A_228 : memref<48x1024xf32, #tpu.memory_space<vmem>>) dst(%dma_wait3A_224 : memref<48x1024xf32, #tpu.memory_space<hbm>>)
    return
  }
}

module attributes {stable_mosaic.version = 14 : i64} {
  func.func @_expand_body(%arg0: i32, %arg1: memref<2048x1xi32, #tpu.memory_space<vmem>>, %arg2: memref<16x1024xf32, #tpu.memory_space<vmem>>, %arg3: memref<32768x1024xf32, #tpu.memory_space<any>>, %arg4: memref<2048x1024xf32, #tpu.memory_space<vmem>>) attributes {dimension_semantics = [#tpu.dimension_semantics<arbitrary>], iteration_bounds = array<i64: 13>, scalar_prefetch = 0 : i64, scratch_operands = 0 : i64, tpu.core_type = #tpu.core_type<tc>, window_params = [{transform_indices = @transform_0, window_bounds = array<i64: 2048, 1>}, {pipeline_mode = #tpu.pipeline_mode<synchronous>, transform_indices = @transform_1, window_bounds = array<i64: 16, 1024>}, {}, {transform_indices = @transform_3, window_bounds = array<i64: 2048, 1024>}]} {
    %get3A = arith.constant 0 : index
    %get3A_0 = arith.constant 0 : index
    %get3A_1 = vector.load %arg1[%get3A, %get3A_0] : memref<2048x1xi32, #tpu.memory_space<vmem>>, vector<2048x1xi32>
    %iota3A = tpu.iota {dimensions = array<i32: 1>} : vector<2048x16xi32>
    %eq3A = vector.broadcast %get3A_1 : vector<2048x1xi32> to vector<2048x16xi32>
    %eq3A_2 = arith.cmpi eq, %eq3A, %iota3A : vector<2048x16xi32>
    %convert_element_type3A = arith.extui %eq3A_2 : vector<2048x16xi1> to vector<2048x16xi32>
    %convert_element_type3A_3 = arith.sitofp %convert_element_type3A : vector<2048x16xi32> to vector<2048x16xf32>
    %get3A_4 = arith.constant 0 : index
    %get3A_5 = arith.constant 0 : index
    %get3A_6 = vector.load %arg2[%get3A_4, %get3A_5] : memref<16x1024xf32, #tpu.memory_space<vmem>>, vector<16x1024xf32>
    %dot_general3A = arith.constant dense<0.000000e+00> : vector<2048x1024xf32>
    %dot_general3A_7 = tpu.matmul %convert_element_type3A_3, %get3A_6, %dot_general3A {dimension_numbers = #tpu.dot_dimension_numbers<[1], [0], [0], [1], [0, 0, 1, 1], [], []>, transpose_lhs_hint = false} : vector<2048x16xf32>, vector<16x1024xf32>, vector<2048x1024xf32> -> vector<2048x1024xf32>
    %swap3A = arith.constant 0 : index
    %swap3A_8 = arith.constant 0 : index
    %swap3A_9 = vector.load %arg4[%swap3A, %swap3A_8] : memref<2048x1024xf32, #tpu.memory_space<vmem>>, vector<2048x1024xf32>
    tpu.vector_store %arg4[%swap3A, %swap3A_8], %dot_general3A_7 {strides = array<i32>} : memref<2048x1024xf32, #tpu.memory_space<vmem>>, vector<2048x1024xf32>,
    return
  }
  func.func @transform_0(%arg0: i32) -> (i32, i32) {
    %c0_i32 = arith.constant 0 : i32
    %c0_i32_0 = arith.constant 0 : i32
    return %arg0, %c0_i32 : i32, i32
  }
  func.func @transform_1(%arg0: i32) -> (i32, i32) {
    %c0_i32 = arith.constant 0 : i32
    %c0_i32_0 = arith.constant 0 : i32
    %c0_i32_1 = arith.constant 0 : i32
    return %c0_i32, %c0_i32_0 : i32, i32
  }
  func.func @transform_3(%arg0: i32) -> (i32, i32) {
    %add3A = arith.constant 3 : i32
    %add3A_0 = arith.addi %arg0, %add3A : i32
    %c0_i32 = arith.constant 0 : i32
    %c0_i32_1 = arith.constant 0 : i32
    return %add3A_0, %c0_i32 : i32, i32
  }
}

module attributes {stable_mosaic.version = 14 : i64} {
  func.func @_table_body(%arg0: memref<16x1024xf32, #tpu.memory_space<vmem>>, %arg1: memref<16x1xi32, #tpu.memory_space<vmem>>, %arg2: memref<512x1024xf32, #tpu.memory_space<vmem>>, %arg3: memref<1x512xf32, #tpu.memory_space<vmem>>, %arg4: memref<32x16x1024xf32, #tpu.memory_space<vmem>>) attributes {dimension_semantics = [], scalar_prefetch = 0 : i64, scratch_operands = 0 : i64, tpu.core_type = #tpu.core_type<tc>} {
    %get3A = arith.constant 0 : index
    %get3A_0 = arith.constant 0 : index
    %get3A_1 = vector.load %arg0[%get3A, %get3A_0] : memref<16x1024xf32, #tpu.memory_space<vmem>>, vector<16x1024xf32>
    %get3A_2 = arith.constant 0 : index
    %get3A_3 = arith.constant 0 : index
    %get3A_4 = vector.load %arg2[%get3A_2, %get3A_3] : memref<512x1024xf32, #tpu.memory_space<vmem>>, vector<512x1024xf32>
    %dot_general3A = arith.constant dense<0.000000e+00> : vector<16x512xf32>
    %dot_general3A_5 = tpu.matmul %get3A_1, %get3A_4, %dot_general3A {dimension_numbers = #tpu.dot_dimension_numbers<[1], [1], [0], [0], [0, 0, 1, 0], [], []>, transpose_lhs_hint = false} : vector<16x1024xf32>, vector<512x1024xf32>, vector<16x512xf32> -> vector<16x512xf32>
    %get3A_6 = arith.constant 0 : index
    %get3A_7 = arith.constant 0 : index
    %get3A_8 = vector.load %arg3[%get3A_6, %get3A_7] : memref<1x512xf32, #tpu.memory_space<vmem>>, vector<1x512xf32>
    %add3A = vector.broadcast %get3A_8 : vector<1x512xf32> to vector<16x512xf32>
    %add3A_9 = arith.addf %dot_general3A_5, %add3A : vector<16x512xf32>
    %get3A_10 = arith.constant 0 : index
    %get3A_11 = arith.constant 0 : index
    %get3A_12 = vector.load %arg1[%get3A_10, %get3A_11] : memref<16x1xi32, #tpu.memory_space<vmem>>, vector<16x1xi32>
    %iota3A = tpu.iota {dimensions = array<i32: 1>} : vector<16x16xi32>
    %eq3A = vector.broadcast %get3A_12 : vector<16x1xi32> to vector<16x16xi32>
    %eq3A_13 = arith.cmpi eq, %eq3A, %iota3A : vector<16x16xi32>
    %convert_element_type3A = arith.extui %eq3A_13 : vector<16x16xi1> to vector<16x16xi32>
    %convert_element_type3A_14 = arith.sitofp %convert_element_type3A : vector<16x16xi32> to vector<16x16xf32>
    %dot_general3A_15 = arith.constant dense<0.000000e+00> : vector<16x512xf32>
    %dot_general3A_16 = tpu.matmul %convert_element_type3A_14, %add3A_9, %dot_general3A_15 {dimension_numbers = #tpu.dot_dimension_numbers<[1], [0], [0], [1], [0, 0, 1, 1], [], []>, transpose_lhs_hint = false} : vector<16x16xf32>, vector<16x512xf32>, vector<16x512xf32> -> vector<16x512xf32>
    %iota3A_17 = tpu.iota {dimensions = array<i32: 0>} : vector<512x512xi32>
    %iota3A_18 = tpu.iota {dimensions = array<i32: 1>} : vector<512x512xi32>
    %add3A_19 = arith.addi %iota3A_17, %iota3A_18 : vector<512x512xi32>
    %eq3A_20 = arith.constant 511 : i32
    %eq3A_21 = vector.broadcast %eq3A_20 : i32 to vector<512x512xi32>
    %eq3A_22 = arith.cmpi eq, %add3A_19, %eq3A_21 : vector<512x512xi32>
    %convert_element_type3A_23 = arith.extui %eq3A_22 : vector<512x512xi1> to vector<512x512xi32>
    %convert_element_type3A_24 = arith.sitofp %convert_element_type3A_23 : vector<512x512xi32> to vector<512x512xf32>
    %dot_general3A_25 = arith.constant dense<0.000000e+00> : vector<16x512xf32>
    %dot_general3A_26 = tpu.matmul %dot_general3A_16, %convert_element_type3A_24, %dot_general3A_25 {dimension_numbers = #tpu.dot_dimension_numbers<[1], [0], [0], [1], [0, 0, 1, 1], [], []>, transpose_lhs_hint = false} : vector<16x512xf32>, vector<512x512xf32>, vector<16x512xf32> -> vector<16x512xf32>
    %concatenate3A = tpu.concatenate %add3A_9, %dot_general3A_26 in 1 : vector<16x512xf32>, vector<16x512xf32> -> vector<16x1024xf32>
    %broadcast_in_dim3A = vector.shape_cast %concatenate3A : vector<16x1024xf32> to vector<1x16x1024xf32>
    %broadcast_in_dim3A_27 = vector.shape_cast %broadcast_in_dim3A : vector<1x16x1024xf32> to vector<1x16x1024xf32>
    %broadcast_in_dim3A_28 = vector.broadcast %broadcast_in_dim3A_27 : vector<1x16x1024xf32> to vector<32x16x1024xf32>
    %swap3A = arith.constant 0 : index
    %swap3A_29 = arith.constant 0 : index
    %swap3A_30 = arith.constant 0 : index
    %swap3A_31 = vector.load %arg4[%swap3A, %swap3A_29, %swap3A_30] : memref<32x16x1024xf32, #tpu.memory_space<vmem>>, vector<32x16x1024xf32>
    tpu.vector_store %arg4[%swap3A, %swap3A_29, %swap3A_30], %broadcast_in_dim3A_28 {strides = array<i32>} : memref<32x16x1024xf32, #tpu.memory_space<vmem>>, vector<32x16x1024xf32>,
    return
  }
}

</mosaic_0001>

<sc_bundles>
// kernel: kernel.5.cloned.1.call-start
scs
__scs_entry_jumppad:
0x0: {  	(pc) =	sbr.rel $0x88, $3  }
0x1: {  	(tag) =	ssettag $0x0;
	lr =	simm.s32 $0x1  }
0x2: {  	[smem:$0x3F9C] =	sst lr;
	_ =	strace $0xD0000000  }
0x3: {  	_ = 	snop  }
0x4: {  	_ = 	snop  }
0x5: {  	_ = 	snop  }
0x6: {  	_ = 	snop  }
0x7: {  	_ = 	snop  }
__scs_overlays_trampoline_lowered:
0x8: {  	[smem:$0x3FAB] =	sst s0  }
0x9: {  	[smem:$0x3FAC] =	sst s1  }
0xa: {  	[smem:$0x3FAD] =	sst s2  }
0xb: {  	[smem:$0x3FAE] =	sst s3  }
0xc: {  	[smem:$0x3FAF] =	sst s4  }
0xd: {  	[smem:$0x3FB0] =	sst s5  }
0xe: {  	[smem:$0x3FB1] =	sst s6  }
0xf: {  	[smem:$0x3FB2] =	sst s7  }
0x10: {  	[smem:$0x3FB3] =	sst s8  }
0x11: {  	[smem:$0x3FB4] =	sst s9;
	s0 =	simm.s32 @!p0 $0x0  }
0x12: {  	s1 =	sld [smem:$0x3F9A];
	s0 =	simm.s32 @p0 $0x1  }
0x13: {  	[smem:$0x3FB5] =	sst s0;
	s0 =	simm.s32 @!p1 $0x0  }
0x14: {  	s2 =	sld [smem:$0x3F99];
	s0 =	simm.s32 @p1 $0x1  }
0x15: {  	[smem:$0x3FB6] =	sst s0;
	s0 =	simm.s32 @!p2 $0x0  }
0x16: {  	s3 =	sld [smem:$0x3FDB];
	s0 =	simm.s32 @p2 $0x1  }
0x17: {  	s4 =	simm.s32 $0x1BF5;
	[smem:$0x3FB8] =	sst s0  }
0x18: {  	s0 =	sld [smem:$0x3F9B];
	_ =	swait.ge [sflag:s4], $0x0  }
0x19: {  	s7 =	sld [smem:$0x3F9C]  }
0x1a: {  	s8 =	sadd.s32 $0xFFFFE003, lr  }
0x1b: {  	s9 =	sadd.s32 $0xFFFFFEF7, lr;
	s5 =	simm.s32 $0xFFFFFFFF;
	p2 =	slt.u32 s8, $0xFFFFF086  }
0x1c: {  	p1 =	slt.u32 s9, $0xF7A;
	s5 =	simm.s32 @!p2 $0x0  }
0x1d: {  	s5 =	simm.s32 @p1 $0x1;
	p0 =	seq.s32 s7, s2  }
0x1e: {  	s7 =	smul.u32 @!p0 $0xF7A, s2;
	p2 =	seq.s32 @!p0 s5, $0x0  }
0x1f: {  	s9 =	smul.u32 $0xF7A, s1;
	s8 =	simm.s32 @!p0 $0x1BF5;
	p2 =	por !p2, p0  }
0x20: {  	[sflag:s8] =	ssyncset.s32 @!p0 $0xFFFFF086;
	s6 =	sadd.s32 @!p0 s3, s7;
	s7 =	simm.s32 @!p0 $0x108  }
0x21: {  	s3 =	sadd.s32 s3, s9;
	s6 =	sadd.s32 @!p0 $0x88, s6;
	s7 =	simm.s32 @p2 $0x1082  }
0x22: {  	[simem:s7], [sflag:s8] =	dma.local @!p0 [hbm:s6], $0xF7A  }
0x23: {  	s9 =	sor.u32 $0xD0000000, s2;
	s6 =	simm.s32 $0x108;
	_ =	swait.ge @!p0 [sflag:s8], $0x0  }
0x24: {  	s3 =	sadd.s32 $0x88, s3;
	s6 =	simm.s32 @!p1 $0x1082;
	[sflag:s4] =	ssyncset.s32 $0xFFFFF086  }
0x25: {  	[simem:s6], [sflag:s4] =	dma.local [hbm:s3], $0xF7A  }
0x26: {  	[smem:$0x3F9C] =	sst s1;
	(tag) =	ssettag s2;
	_ =	strace s9  }
0x27: {  	s1 =	sld [smem:$0x3FAC]  }
0x28: {  	s2 =	sld [smem:$0x3FAD]  }
0x29: {  	s4 =	sld [smem:$0x3FAF]  }
0x2a: {  	p0 =	seq.s32 s5, $0x0;
	s5 =	sld [smem:$0x3FB0]  }
0x2b: {  	s6 =	sld [smem:$0x3FB1]  }
0x2c: {  	s7 =	sld [smem:$0x3FB2]  }
0x2d: {  	s3 =	simm.s32 $0x108;
	s8 =	sld [smem:$0x3FB3]  }
0x2e: {  	s3 =	simm.s32 @!p0 $0x1082;
	s9 =	sld [smem:$0x3FB4]  }
0x2f: {  	lr =	sadd.s32 s0, s3;
	s0 =	sld [smem:$0x3FAB]  }
0x30: {  	s3 =	sld [smem:$0x3FAE]  }
0x31: {  	[smem:$0x3FB7] =	sst s10  }
0x32: {  	s10 =	sld [smem:$0x3FB5];
	_ =	sdelay $0x3  }
0x33: {  	p0 =	seq.s32 s10, $0x1;
	s10 =	sld [smem:$0x3FB7];
	_ =	sdelay $0x3  }
0x34: {  	[smem:$0x3FB7] =	sst s10  }
0x35: {  	s10 =	sld [smem:$0x3FB6];
	_ =	sdelay $0x3  }
0x36: {  	p1 =	seq.s32 s10, $0x1;
	s10 =	sld [smem:$0x3FB7];
	_ =	sdelay $0x3  }
0x37: {  	[smem:$0x3FB7] =	sst s10  }
0x38: {  	s10 =	sld [smem:$0x3FB8]  }
0x39: {  	_ = 	snop;
	(pc) =	sbr.ind lr, $3  }
0x3a: {  	_ = 	snop  }
0x3b: {  	_ = 	snop  }
0x3c: {  	p2 =	seq.s32 s10, $0x1;
	s10 =	sld [smem:$0x3FB7]  }
0x3d: {  	_ =	shalt  }
0x3e: {  	_ =	shalt  }
0x3f: {  	_ =	shalt  }
0x40: {  	_ =	shalt  }
0x41: {  	_ =	shalt  }
0x42: {  	_ =	shalt  }
0x43: {  	_ =	shalt  }
0x44: {  	_ =	shalt  }
0x45: {  	_ =	shalt  }
0x46: {  	_ =	shalt  }
0x47: {  	_ =	shalt  }
0x48: {  	_ =	shalt  }
0x49: {  	_ =	shalt  }
0x4a: {  	_ =	shalt  }
0x4b: {  	_ =	shalt  }
0x4c: {  	_ =	shalt  }
0x4d: {  	_ =	shalt  }
0x4e: {  	_ =	shalt  }
0x4f: {  	_ =	shalt  }
0x50: {  	_ =	shalt  }
0x51: {  	_ =	shalt  }
0x52: {  	_ =	shalt  }
0x53: {  	_ =	shalt  }
0x54: {  	_ =	shalt  }
0x55: {  	_ =	shalt  }
0x56: {  	_ =	shalt  }
0x57: {  	_ =	shalt  }
0x58: {  	_ =	shalt  }
0x59: {  	_ =	shalt  }
0x5a: {  	_ =	shalt  }
0x5b: {  	_ =	shalt  }
0x5c: {  	_ =	shalt  }
0x5d: {  	_ =	shalt  }
0x5e: {  	_ =	shalt  }
0x5f: {  	_ =	shalt  }
0x60: {  	_ =	shalt  }
0x61: {  	_ =	shalt  }
0x62: {  	_ =	shalt  }
0x63: {  	_ =	shalt  }
0x64: {  	_ =	shalt  }
0x65: {  	_ =	shalt  }
0x66: {  	_ =	shalt  }
0x67: {  	_ =	shalt  }
0x68: {  	_ =	shalt  }
0x69: {  	_ =	shalt  }
0x6a: {  	_ =	shalt  }
0x6b: {  	_ =	shalt  }
0x6c: {  	_ =	shalt  }
0x6d: {  	_ =	shalt  }
0x6e: {  	_ =	shalt  }
0x6f: {  	_ =	shalt  }
0x70: {  	_ =	shalt  }
0x71: {  	_ =	shalt  }
0x72: {  	_ =	shalt  }
0x73: {  	_ =	shalt  }
0x74: {  	_ =	shalt  }
0x75: {  	_ =	shalt  }
0x76: {  	_ =	shalt  }
0x77: {  	_ =	shalt  }
0x78: {  	_ =	shalt  }
0x79: {  	_ =	shalt  }
0x7a: {  	_ =	shalt  }
0x7b: {  	_ =	shalt  }
0x7c: {  	_ =	shalt  }
0x7d: {  	_ =	shalt  }
0x7e: {  	_ =	shalt  }
0x7f: {  	_ =	shalt  }
0x80: {  	_ =	shalt  }
0x81: {  	_ =	shalt  }
0x82: {  	_ =	shalt  }
0x83: {  	_ =	shalt  }
0x84: {  	_ =	shalt  }
0x85: {  	_ =	shalt  }
0x86: {  	_ =	shalt  }
0x87: {  	_ =	shalt  }
.Lfunc_end0:
.L_simem_size_0:
called_computation_lowered:
.L_overlay_start_0:
0x88: {  	s2 =	sld [smem:$0x3FD9]  }
0x89: {  	s3 =	sld [smem:$0x3FFE];
	_ =	sdelay $0x1  }
0x8a: {  	s1 =	srdreg.scid  }
0x8b: {  	s0 =	sand.u32 $0x1, s1  }
0x8c: {  	s17 =	sshll.u32 s0, $0xA;
	s2 =	sadd.s32 s3, s2  }
0x8d: {  	s2 =	sadd.s32 s2, s17  }
0x8e: {  	[smem:$0x3FC3] =	sst s2  }
0x8f: {  	_ = 	snop  }
0x90: {  	s2 =	sld [smem:$0x3FD0];
	(tm) =	ssettm $0x1  }
0x91: {  	s18 =	sld [smem:$0x3FFB];
	_ =	sdelay $0x3  }
0x92: {  	_ =	strace s18  }
0x93: {  	s3 =	sld [smem:$0x3FFC];
	_ =	sdelay $0x3  }
0x94: {  	_ =	strace s3  }
0x95: {  	s3 =	sld [smem:$0x3FFD];
	_ =	sdelay $0x3  }
0x96: {  	_ =	strace s3  }
0x97: {  	_ =	strace $0x8FFFFFFF  }
0x98: {  	s19 =	sld [smem:$0x3FDB];
	_ =	sdelay $0x1  }
0x99: {  	s4 =	simm.s32 $_scs_section_size  }
0x9a: {  	s5 =	simm.s32 $_size__tile_overlayer_lowered;
	s6 =	simm.s32 $_tile_overlayer_lowered  }
0x9b: {  	s22 =	simm.s32 $0x1BFF;
	s21 =	sshll.u32 s6, $0x1;
	s3 =	sadd.s32 s4, s19  }
0x9c: {  	s7 =	simm.s32 $0x0;
	s20 =	sshll.u32 s5, $0x1;
	s5 =	sadd.s32 s21, s3  }
0x9d: {  	[timem:s7], [sflag:s22] =	dma.local [hbm:s5], s20  }
0x9e: {  	_ =	swait.ge [sflag:s22], s20  }
0x9f: {  	s4 =	ssub.s32 $0x0, s20;
	[sflag:s22] =	ssyncset.done $0x0  }
0xa0: {  	[sflag:s22] =	ssyncadd.s32 s4;
	_ =	sdelay $0x1  }
0xa1: {  	s23 =	simm.s32 $0x1B8B  }
0xa2: {  	_ =	swait.ge [sflag:s23], $0x1  }
0xa3: {  	[sflag:s23] =	ssyncset.done $0x0  }
0xa4: {  	s25 =	simm.s32 $0x1B8E;
	s24 =	sld [smem:$0x3FFE];
	[sflag:s23] =	ssyncadd.s32 $0xFFFFFFFF  }
0xa5: {  	s26 =	simm.s32 $execute0_lowered;
	[smem:$0x3FD2] =	sst s25  }
0xa6: {  	s5 =	sshll.u32 s26, $0x1;
	_ =	strace $0x80000046;
	[dreg:$0x1] =	wrdreg $0xFFFFFFFF  }
0xa7: {  	s28 =	simm.s32 $_size_execute0_lowered;
	s3 =	sadd.s32 s3, s5;
	[dreg:$0x0] =	wrdreg $0x0  }
0xa8: {  	s5 =	sshll.u32 s28, $0x1;
	[dreg:$0x2] =	wrdreg s3  }
0xa9: {  	[dreg:$0x3] =	wrdreg s5  }
0xaa: {  	[dreg:$0x4] =	wrdreg $0xC0  }
0xab: {  	_ =	task [dreg:s7], $0x5FFFF  }
0xac: {  	[dreg:$0x1] =	wrdreg $0xFFFFFFFF  }
0xad: {  	[dreg:$0x0] =	wrdreg $0x60  }
0xae: {  	[dreg:$0x2] =	wrdreg s24  }
0xaf: {  	[dreg:$0x3] =	wrdreg s2  }
0xb0: {  	[dreg:$0x4] =	wrdreg $0x9  }
0xb1: {  	_ =	task.clear_ibuf [dreg:s7], $0x5FFFF;
	_ =	strace $0x90000046  }
0xb2: {  	s29 =	simm.s32 $0x9;
	_ =	strace $0x80000048  }
0xb3: {  	_ =	swait.ge [sflag:s29], $0x1  }
0xb4: {  	[sflag:s29] =	ssyncadd.s32 $0xFFFFFFFF  }
0xb5: {  	_ =	strace $0x90000048  }
0xb6: {  	_ =	sfence  }
0xb7: {  	s30 =	sld [smem:$0x0];
	_ =	sdelay $0x2  }
0xb8: {  	s31 =	sshll.u32 s1, $0xD;
	s1 =	sshrl.u32 s1, $0x2  }
0xb9: {  	s3 =	sand.u32 $0x4000, s31;
	s1 =	sadd.s32 s1, s30  }
0xba: {  	s0 =	sor.u32 s3, s0;
	s1 =	sshll.u32 s1, $0x11  }
0xbb: {  	s0 =	sor.u32 s1, s0  }
0xbc: {  	s0 =	sadd.s32 $0x8F2B, s0  }
0xbd: {  	[sflag:s0] =	ssyncadd.remote.s32 $0x1  }
0xbe: {  	_ =	sfence.sel $0xFFFF  }
0xbf: {  	[dreg:$0x0] =	wrdreg $0xFFFFFFFF;
	(pc) =	sbr.abs _section_cstart, $3  }
0xc0: {  	[dreg:$0x1] =	wrdreg $0xFFFFFFFF  }
0xc1: {  	_ =	task.clear_ibuf [dreg:s7], $0x2FFFF;
	_ =	strace $0x9FFFFFFF  }
0xc2: {  	(tm) =	ssettm $0x7FFFFFFF  }
0xc3: {  	_ =	shalt  }
tec
execute0_lowered:
.L_overlay_start_1:
0x0: {  	(tag) =	ssettag $0x1  }
0x1: {  	s0 =	srdreg.scid;
	s1 =	rddreg [dreg:$0x0]  }
0x2: {  	s2 =	stileid.u32;
	s4 =	rddreg [dreg:$0x1]  }
0x3: {  	s18 =	simm.s32 $0x900;
	s19 =	simm.s32 $0x1100;
	s20 =	simm.s32 $0x1900  }
0x4: {  	s21 =	simm.s32 $0x2100;
	s22 =	simm.s32 $0x2900;
	s28 =	simm.s32 $0x5100  }
0x5: {  	s29 =	simm.s32 $0x5900;
	s30 =	simm.s32 $0x6100;
	s31 =	simm.s32 $0x6900  }
0x6: {  	s13 =	simm.s32 $0xA100;
	s0 =	sand.u32 $0x1, s0;
	s2 =	sshll.u32 s2, $0x1  }
0x7: {  	s14 =	simm.s32 $0xA900;
	s15 =	simm.s32 $0xB100;
	s5 =	sor.u32 s0, s2  }
0x8: {  	s16 =	simm.s32 $0xB900;
	s2 =	simm.s32 $0x0;
	s3 =	smul.u32 $0x18, s5  }
0x9: {  	s0 =	ssub.s32 $0x2, s0;
	[smem:$0x7FF] =	sst s2;
	s6 =	smul.u32 $0x6000, s5  }
0xa: {  	s7 =	sshrl.u32 s0, $0x1;
	s8 =	smul.u32 $0x30000, s5;
	s12 =	sshll.u32 s5, $0x4  }
0xb: {  	s5 =	sadd.s32 $0x1300, s1;
	_ =	strace $0x80000047;
	s0 =	ssub.s32 s0, s7  }
0xc: {  	s7 =	sadd.s32 $0x1500, s1;
	v0 =	vmov s12;
	s12 =	simm.s32 $0x8900;
	s9 =	sadd.s32 s3, s1  }
0xd: {  	s3 =	sadd.s32 $0x1200, s1;
	s24 =	sadd.s32 s4, s6;
	s25 =	sshrl.u32 s8, $0x3  }
0xe: {  	s11 =	smax.u32 s0, $0x1;
	s23 =	sadd.s32 $0xE00, s9;
	[dreg:$0x7] =	wrdreg s24  }
0xf: {  	s26 =	sadd.s32 $0x1800, s24;
	s4 =	sadd.s32 s4, s25;
	[dreg:$0x3] =	wrdreg s23  }
0x10: {  	s24 =	simm.s32 $0x3900;
	s25 =	simm.s32 $0x4100;
	[dreg:$0x4] =	wrdreg s26  }
0x11: {  	v3 =	vlaneseq.u32;
	s6 =	sadd.s32 $0x3000, s4;
	s4 =	sadd.s32 $0x4800, s4;
	s23 =	simm.s32 $0x3100  }
0x12: {  	vm0 =	vmmov $0xffff;
	v2 =	vshrl.u32 v3, $0x3;
	s26 =	simm.s32 $0x4900;
	[dreg:$0x5] =	wrdreg s6;
	s6 =	sadd.s32 $0x1400, s1  }
0x13: {  	v1 =	vand.u32 $0x7, v3;
	v3 =	vor.u32 $0x8, v3;
	v2 =	vmul.u32 $0x8, v2;
	[dreg:$0x6] =	wrdreg s4;
	s4 =	simm.s32 $0xC100;
	s1 =	simm.s32 $0x3  }
.LBB2_1:
0x14: {  	s17 =	rddreg [dreg:$0x3];
	s0 =	simm.s32 $0x5  }
0x15: {  	[tilespmem:s2], [sflag:$0x5] =	stream.linear.gather [hbm4b:s17+s2], $0xC0, $0x38;
	[tilespmem:$0x18100] =	vst v63  }
0x16: {  	_ =	swait.ge [sflag:s0], $0xC0  }
0x17: {  	[sflag:s0] =	ssyncset.done $0x0  }
0x18: {  	[sflag:s0] =	ssyncadd.s32 $0xFFFFFF40  }
0x19: {  	v4 =	vld [tilespmem:$0x0]  }
0x1a: {  	v5 =	vld [tilespmem:$0x10]  }
0x1b: {  	v6 =	vld [tilespmem:$0x20]  }
0x1c: {  	v7 =	vld [tilespmem:$0x30]  }
0x1d: {  	v8 =	vld [tilespmem:$0x40]  }
0x1e: {  	v10 =	vld [tilespmem:$0x50];
	v9 =	vadd.s32 v0, v4  }
0x1f: {  	v11 =	vld [tilespmem:$0x60];
	v5 =	vadd.s32 v0, v5;
	[tilespmem:$0x0] =	vst v9  }
0x20: {  	v57 =	vld [tilespmem:$0x70];
	[tilespmem:$0x10] =	vst v5;
	v5 =	vadd.s32 v0, v6  }
0x21: {  	v58 =	vld [tilespmem:$0x80];
	v9 =	vshll.u32 v9, $0x3;
	[tilespmem:$0x20] =	vst v5;
	v5 =	vadd.s32 v0, v7  }
0x22: {  	v59 =	vld [tilespmem:$0x90];
	v4 =	vand.u32 $0x7, v4;
	v9 =	vand.u32 $0xFFFFFFC0, v9;
	[tilespmem:$0x30] =	vst v5;
	v5 =	vadd.s32 v0, v8  }
0x23: {  	v60 =	vld [tilespmem:$0xA0];
	v4 =	vor.u32 v4, v9;
	[tilespmem:$0x40] =	vst v5;
	v5 =	vadd.s32 v0, v10  }
0x24: {  	v61 =	vld [tilespmem:$0xB0];
	v62 =	vperm.xlane v4, v1;
	[tilespmem:$0x50] =	vst v5;
	v5 =	vadd.s32 v0, v11  }
0x25: {  	[tilespmem:$0x60] =	vst v5;
	v5 =	vadd.s32 v0, v57  }
0x26: {  	v63 =	vadd.s32 v2, v62;
	[tilespmem:$0x70] =	vst v5;
	v5 =	vadd.s32 v0, v58  }
0x27: {  	[tilespmem:$0x80] =	vst v5;
	v5 =	vadd.s32 v0, v59  }
0x28: {  	[tilespmem:$0x90] =	vst v5;
	v5 =	vadd.s32 v0, v60  }
0x29: {  	[tilespmem:$0xA0] =	vst v5;
	v5 =	vadd.s32 v0, v61  }
0x2a: {  	s8 =	simm.s32 $0x100;
	[tilespmem:$0xB0] =	vst v5  }
0x2b: {  	[tilespmem:s8], [sflag:$0x1] =	stream.indirect_vreg.gather [hbm4b:s3+s2], $0x80, v63, vm0, $0xb8;
	[tilespmem:$0x18100] =	vst v63  }
0x2c: {  	v4 =	vperm.xlane v4, v3  }
0x2d: {  	[tilespmem:s18], [sflag:$0x1] =	stream.indirect_vreg.gather [hbm4b:s5+s2], $0x80, v63, vm0, $0xb8;
	[tilespmem:$0x18100] =	vst v63  }
0x2e: {  	v4 =	vadd.s32 v2, v4  }
0x2f: {  	[tilespmem:s19], [sflag:$0x1] =	stream.indirect_vreg.gather [hbm4b:s6+s2], $0x80, v63, vm0, $0xb8;
	[tilespmem:$0x18100] =	vst v63  }
0x30: {  	_ = 	snop  }
0x31: {  	[tilespmem:s20], [sflag:$0x1] =	stream.indirect_vreg.gather [hbm4b:s7+s2], $0x80, v63, vm0, $0xb8;
	[tilespmem:$0x18100] =	vst v63  }
0x32: {  	_ = 	snop  }
0x33: {  	[tilespmem:s21], [sflag:$0x1] =	stream.indirect_vreg.gather [hbm4b:s3+s2], $0x80, v4, vm0, $0xb8;
	[tilespmem:$0x18100] =	vst v63  }
0x34: {  	_ = 	snop  }
0x35: {  	[tilespmem:s22], [sflag:$0x1] =	stream.indirect_vreg.gather [hbm4b:s5+s2], $0x80, v4, vm0, $0xb8;
	[tilespmem:$0x18100] =	vst v63  }
0x36: {  	_ = 	snop  }
0x37: {  	[tilespmem:s23], [sflag:$0x1] =	stream.indirect_vreg.gather [hbm4b:s6+s2], $0x80, v4, vm0, $0xb8;
	[tilespmem:$0x18100] =	vst v63  }
0x38: {  	_ = 	snop  }
0x39: {  	[tilespmem:s24], [sflag:$0x1] =	stream.indirect_vreg.gather [hbm4b:s7+s2], $0x80, v4, vm0, $0xb8;
	[tilespmem:$0x18100] =	vst v63  }
0x3a: {  	v4 =	vld [tilespmem:$0x10];
	_ =	sdelay $0x4  }
0x3b: {  	v5 =	vshll.u32 v4, $0x3  }
0x3c: {  	v4 =	vand.u32 $0x7, v4;
	v5 =	vand.u32 $0xFFFFFFC0, v5  }
0x3d: {  	v4 =	vor.u32 v4, v5  }
0x3e: {  	v5 =	vperm.xlane v4, v1;
	_ =	sdelay $0x1  }
0x3f: {  	v5 =	vadd.s32 v2, v5;
	_ =	sdelay $0x4  }
0x40: {  	[tilespmem:s25], [sflag:$0x1] =	stream.indirect_vreg.gather [hbm4b:s3+s2], $0x80, v5, vm0, $0xb8;
	[tilespmem:$0x18100] =	vst v63  }
0x41: {  	v4 =	vperm.xlane v4, v3  }
0x42: {  	[tilespmem:s26], [sflag:$0x1] =	stream.indirect_vreg.gather [hbm4b:s5+s2], $0x80, v5, vm0, $0xb8;
	[tilespmem:$0x18100] =	vst v63  }
0x43: {  	v4 =	vadd.s32 v2, v4  }
0x44: {  	[tilespmem:s28], [sflag:$0x1] =	stream.indirect_vreg.gather [hbm4b:s6+s2], $0x80, v5, vm0, $0xb8;
	[tilespmem:$0x18100] =	vst v63  }
0x45: {  	_ = 	snop  }
0x46: {  	[tilespmem:s29], [sflag:$0x1] =	stream.indirect_vreg.gather [hbm4b:s7+s2], $0x80, v5, vm0, $0xb8;
	[tilespmem:$0x18100] =	vst v63  }
0x47: {  	_ = 	snop  }
0x48: {  	[tilespmem:s30], [sflag:$0x1] =	stream.indirect_vreg.gather [hbm4b:s3+s2], $0x80, v4, vm0, $0xb8;
	[tilespmem:$0x18100] =	vst v63  }
0x49: {  	_ = 	snop  }
0x4a: {  	[tilespmem:s31], [sflag:$0x1] =	stream.indirect_vreg.gather [hbm4b:s5+s2], $0x80, v4, vm0, $0xb8;
	[tilespmem:$0x18100] =	vst v63  }
0x4b: {  	s9 =	simm.s32 $0x7100  }
0x4c: {  	[tilespmem:s9], [sflag:$0x1] =	stream.indirect_vreg.gather [hbm4b:s6+s2], $0x80, v4, vm0, $0xb8;
	[tilespmem:$0x18100] =	vst v63  }
0x4d: {  	s10 =	simm.s32 $0x7900  }
0x4e: {  	[tilespmem:s10], [sflag:$0x1] =	stream.indirect_vreg.gather [hbm4b:s7+s2], $0x80, v4, vm0, $0xb8;
	[tilespmem:$0x18100] =	vst v63  }
0x4f: {  	v4 =	vld [tilespmem:$0x20];
	_ =	sdelay $0x4  }
0x50: {  	v5 =	vshll.u32 v4, $0x3  }
0x51: {  	v4 =	vand.u32 $0x7, v4;
	v5 =	vand.u32 $0xFFFFFFC0, v5  }
0x52: {  	v4 =	vor.u32 v4, v5  }
0x53: {  	v5 =	vperm.xlane v4, v1;
	_ =	sdelay $0x1  }
0x54: {  	v5 =	vadd.s32 v2, v5;
	_ =	sdelay $0x3  }
0x55: {  	s17 =	simm.s32 $0x8100  }
0x56: {  	[tilespmem:s17], [sflag:$0x1] =	stream.indirect_vreg.gather [hbm4b:s3+s2], $0x80, v5, vm0, $0xb8;
	[tilespmem:$0x18100] =	vst v63  }
0x57: {  	v4 =	vperm.xlane v4, v3  }
0x58: {  	[tilespmem:s12], [sflag:$0x1] =	stream.indirect_vreg.gather [hbm4b:s5+s2], $0x80, v5, vm0, $0xb8;
	[tilespmem:$0x18100] =	vst v63  }
0x59: {  	s9 =	simm.s32 $0x9100;
	v4 =	vadd.s32 v2, v4  }
0x5a: {  	[tilespmem:s9], [sflag:$0x1] =	stream.indirect_vreg.gather [hbm4b:s6+s2], $0x80, v5, vm0, $0xb8;
	[tilespmem:$0x18100] =	vst v63  }
0x5b: {  	s10 =	simm.s32 $0x9900  }
0x5c: {  	[tilespmem:s10], [sflag:$0x1] =	stream.indirect_vreg.gather [hbm4b:s7+s2], $0x80, v5, vm0, $0xb8;
	[tilespmem:$0x18100] =	vst v63  }
0x5d: {  	_ = 	snop  }
0x5e: {  	[tilespmem:s13], [sflag:$0x1] =	stream.indirect_vreg.gather [hbm4b:s3+s2], $0x80, v4, vm0, $0xb8;
	[tilespmem:$0x18100] =	vst v63  }
0x5f: {  	_ = 	snop  }
0x60: {  	[tilespmem:s14], [sflag:$0x1] =	stream.indirect_vreg.gather [hbm4b:s5+s2], $0x80, v4, vm0, $0xb8;
	[tilespmem:$0x18100] =	vst v63  }
0x61: {  	_ = 	snop  }
0x62: {  	[tilespmem:s15], [sflag:$0x1] =	stream.indirect_vreg.gather [hbm4b:s6+s2], $0x80, v4, vm0, $0xb8;
	[tilespmem:$0x18100] =	vst v63  }
0x63: {  	_ = 	snop  }
0x64: {  	[tilespmem:s16], [sflag:$0x1] =	stream.indirect_vreg.gather [hbm4b:s7+s2], $0x80, v4, vm0, $0xb8;
	[tilespmem:$0x18100] =	vst v63  }
0x65: {  	v4 =	vld [tilespmem:$0x30];
	_ =	sdelay $0x4  }
0x66: {  	v5 =	vshll.u32 v4, $0x3  }
0x67: {  	v4 =	vand.u32 $0x7, v4;
	v5 =	vand.u32 $0xFFFFFFC0, v5  }
0x68: {  	v4 =	vor.u32 v4, v5  }
0x69: {  	v5 =	vperm.xlane v4, v1;
	_ =	sdelay $0x1  }
0x6a: {  	v5 =	vadd.s32 v2, v5;
	_ =	sdelay $0x4  }
0x6b: {  	[tilespmem:s4], [sflag:$0x2] =	stream.indirect_vreg.gather [hbm4b:s3+s2], $0x80, v5, vm0, $0xb8;
	[tilespmem:$0x18100] =	vst v63  }
0x6c: {  	s8 =	simm.s32 $0xC900;
	v4 =	vperm.xlane v4, v3  }
0x6d: {  	[tilespmem:s8], [sflag:$0x2] =	stream.indirect_vreg.gather [hbm4b:s5+s2], $0x80, v5, vm0, $0xb8;
	[tilespmem:$0x18100] =	vst v63  }
0x6e: {  	s17 =	simm.s32 $0xD100;
	v4 =	vadd.s32 v2, v4  }
0x6f: {  	[tilespmem:s17], [sflag:$0x2] =	stream.indirect_vreg.gather [hbm4b:s6+s2], $0x80, v5, vm0, $0xb8;
	[tilespmem:$0x18100] =	vst v63  }
0x70: {  	s8 =	simm.s32 $0xD900  }
0x71: {  	[tilespmem:s8], [sflag:$0x2] =	stream.indirect_vreg.gather [hbm4b:s7+s2], $0x80, v5, vm0, $0xb8;
	[tilespmem:$0x18100] =	vst v63  }
0x72: {  	s17 =	simm.s32 $0xE100  }
0x73: {  	[tilespmem:s17], [sflag:$0x2] =	stream.indirect_vreg.gather [hbm4b:s3+s2], $0x80, v4, vm0, $0xb8;
	[tilespmem:$0x18100] =	vst v63  }
0x74: {  	s8 =	simm.s32 $0xE900  }
0x75: {  	[tilespmem:s8], [sflag:$0x2] =	stream.indirect_vreg.gather [hbm4b:s5+s2], $0x80, v4, vm0, $0xb8;
	[tilespmem:$0x18100] =	vst v63  }
0x76: {  	s17 =	simm.s32 $0xF100  }
0x77: {  	[tilespmem:s17], [sflag:$0x2] =	stream.indirect_vreg.gather [hbm4b:s6+s2], $0x80, v4, vm0, $0xb8;
	[tilespmem:$0x18100] =	vst v63  }
0x78: {  	s8 =	simm.s32 $0xF900  }
0x79: {  	[tilespmem:s8], [sflag:$0x2] =	stream.indirect_vreg.gather [hbm4b:s7+s2], $0x80, v4, vm0, $0xb8;
	[tilespmem:$0x18100] =	vst v63  }
0x7a: {  	v4 =	vld [tilespmem:$0x40];
	_ =	sdelay $0x4  }
0x7b: {  	v5 =	vshll.u32 v4, $0x3  }
0x7c: {  	v4 =	vand.u32 $0x7, v4;
	v5 =	vand.u32 $0xFFFFFFC0, v5  }
0x7d: {  	v4 =	vor.u32 v4, v5  }
0x7e: {  	v5 =	vperm.xlane v4, v1;
	_ =	sdelay $0x1  }
0x7f: {  	v5 =	vadd.s32 v2, v5;
	_ =	sdelay $0x3  }
0x80: {  	s17 =	simm.s32 $0x10100  }
0x81: {  	[tilespmem:s17], [sflag:$0x2] =	stream.indirect_vreg.gather [hbm4b:s3+s2], $0x80, v5, vm0, $0xb8;
	[tilespmem:$0x18100] =	vst v63  }
0x82: {  	s8 =	simm.s32 $0x10900;
	v4 =	vperm.xlane v4, v3  }
0x83: {  	[tilespmem:s8], [sflag:$0x2] =	stream.indirect_vreg.gather [hbm4b:s5+s2], $0x80, v5, vm0, $0xb8;
	[tilespmem:$0x18100] =	vst v63  }
0x84: {  	v4 =	vadd.s32 v2, v4;
	s17 =	simm.s32 $0x11100  }
0x85: {  	[tilespmem:s17], [sflag:$0x2] =	stream.indirect_vreg.gather [hbm4b:s6+s2], $0x80, v5, vm0, $0xb8;
	[tilespmem:$0x18100] =	vst v63  }
0x86: {  	s8 =	simm.s32 $0x11900  }
0x87: {  	[tilespmem:s8], [sflag:$0x2] =	stream.indirect_vreg.gather [hbm4b:s7+s2], $0x80, v5, vm0, $0xb8;
	[tilespmem:$0x18100] =	vst v63  }
0x88: {  	s17 =	simm.s32 $0x12100  }
0x89: {  	[tilespmem:s17], [sflag:$0x2] =	stream.indirect_vreg.gather [hbm4b:s3+s2], $0x80, v4, vm0, $0xb8;
	[tilespmem:$0x18100] =	vst v63  }
0x8a: {  	s8 =	simm.s32 $0x12900  }
0x8b: {  	[tilespmem:s8], [sflag:$0x2] =	stream.indirect_vreg.gather [hbm4b:s5+s2], $0x80, v4, vm0, $0xb8;
	[tilespmem:$0x18100] =	vst v63  }
0x8c: {  	s17 =	simm.s32 $0x13100  }
0x8d: {  	[tilespmem:s17], [sflag:$0x2] =	stream.indirect_vreg.gather [hbm4b:s6+s2], $0x80, v4, vm0, $0xb8;
	[tilespmem:$0x18100] =	vst v63  }
0x8e: {  	s8 =	simm.s32 $0x13900  }
0x8f: {  	[tilespmem:s8], [sflag:$0x2] =	stream.indirect_vreg.gather [hbm4b:s7+s2], $0x80, v4, vm0, $0xb8;
	[tilespmem:$0x18100] =	vst v63  }
0x90: {  	v4 =	vld [tilespmem:$0x50];
	_ =	sdelay $0x4  }
0x91: {  	v5 =	vshll.u32 v4, $0x3  }
0x92: {  	v4 =	vand.u32 $0x7, v4;
	v5 =	vand.u32 $0xFFFFFFC0, v5  }
0x93: {  	v4 =	vor.u32 v4, v5  }
0x94: {  	v5 =	vperm.xlane v4, v1;
	_ =	sdelay $0x1  }
0x95: {  	v5 =	vadd.s32 v2, v5;
	_ =	sdelay $0x3  }
0x96: {  	s17 =	simm.s32 $0x14100  }
0x97: {  	[tilespmem:s17], [sflag:$0x2] =	stream.indirect_vreg.gather [hbm4b:s3+s2], $0x80, v5, vm0, $0xb8;
	[tilespmem:$0x18100] =	vst v63  }
0x98: {  	s8 =	simm.s32 $0x14900;
	v4 =	vperm.xlane v4, v3  }
0x99: {  	[tilespmem:s8], [sflag:$0x2] =	stream.indirect_vreg.gather [hbm4b:s5+s2], $0x80, v5, vm0, $0xb8;
	[tilespmem:$0x18100] =	vst v63  }
0x9a: {  	v4 =	vadd.s32 v2, v4;
	s17 =	simm.s32 $0x15100  }
0x9b: {  	[tilespmem:s17], [sflag:$0x2] =	stream.indirect_vreg.gather [hbm4b:s6+s2], $0x80, v5, vm0, $0xb8;
	[tilespmem:$0x18100] =	vst v63  }
0x9c: {  	s8 =	simm.s32 $0x15900  }
0x9d: {  	[tilespmem:s8], [sflag:$0x2] =	stream.indirect_vreg.gather [hbm4b:s7+s2], $0x80, v5, vm0, $0xb8;
	[tilespmem:$0x18100] =	vst v63  }
0x9e: {  	s17 =	simm.s32 $0x16100  }
0x9f: {  	[tilespmem:s17], [sflag:$0x2] =	stream.indirect_vreg.gather [hbm4b:s3+s2], $0x80, v4, vm0, $0xb8;
	[tilespmem:$0x18100] =	vst v63  }
0xa0: {  	s8 =	simm.s32 $0x16900  }
0xa1: {  	[tilespmem:s8], [sflag:$0x2] =	stream.indirect_vreg.gather [hbm4b:s5+s2], $0x80, v4, vm0, $0xb8;
	[tilespmem:$0x18100] =	vst v63  }
0xa2: {  	s17 =	simm.s32 $0x17100  }
0xa3: {  	[tilespmem:s17], [sflag:$0x2] =	stream.indirect_vreg.gather [hbm4b:s6+s2], $0x80, v4, vm0, $0xb8;
	[tilespmem:$0x18100] =	vst v63  }
0xa4: {  	s0 =	simm.s32 $0x1;
	s8 =	simm.s32 $0x17900  }
0xa5: {  	[tilespmem:s8], [sflag:$0x2] =	stream.indirect_vreg.gather [hbm4b:s7+s2], $0x80, v4, vm0, $0xb8;
	[tilespmem:$0x18100] =	vst v63  }
0xa6: {  	_ =	swait.ge [sflag:s0], $0xC000  }
0xa7: {  	[sflag:s0] =	ssyncset.done $0x0  }
0xa8: {  	s8 =	simm.s32 $0x100;
	s17 =	rddreg [dreg:$0x7];
	[sflag:s0] =	ssyncadd.s32 $0xFFFF4000  }
0xa9: {  	[hbm4b:s17+s2] =	stream.linear.scatter [tilespmem:s8], [sflag:$0x3], $0xC000, $0x38;
	[tilespmem:$0x18100] =	vst v63  }
0xaa: {  	_ =	swait.ge [sflag:s1], $0xC000  }
0xab: {  	[sflag:s1] =	ssyncset.done $0x0  }
0xac: {  	[sflag:s1] =	ssyncadd.s32 $0xFFFF4000  }
0xad: {  	v4 =	vld [tilespmem:$0x60];
	_ =	sdelay $0x4  }
0xae: {  	v5 =	vshll.u32 v4, $0x3  }
0xaf: {  	v4 =	vand.u32 $0x7, v4;
	v5 =	vand.u32 $0xFFFFFFC0, v5  }
0xb0: {  	v4 =	vor.u32 v4, v5  }
0xb1: {  	v5 =	vperm.xlane v4, v1;
	_ =	sdelay $0x1  }
0xb2: {  	v5 =	vadd.s32 v2, v5;
	_ =	sdelay $0x4  }
0xb3: {  	[tilespmem:s8], [sflag:$0x1] =	stream.indirect_vreg.gather [hbm4b:s3+s2], $0x80, v5, vm0, $0xb8;
	[tilespmem:$0x18100] =	vst v63  }
0xb4: {  	v4 =	vperm.xlane v4, v3  }
0xb5: {  	[tilespmem:s18], [sflag:$0x1] =	stream.indirect_vreg.gather [hbm4b:s5+s2], $0x80, v5, vm0, $0xb8;
	[tilespmem:$0x18100] =	vst v63  }
0xb6: {  	v4 =	vadd.s32 v2, v4  }
0xb7: {  	[tilespmem:s19], [sflag:$0x1] =	stream.indirect_vreg.gather [hbm4b:s6+s2], $0x80, v5, vm0, $0xb8;
	[tilespmem:$0x18100] =	vst v63  }
0xb8: {  	_ = 	snop  }
0xb9: {  	[tilespmem:s20], [sflag:$0x1] =	stream.indirect_vreg.gather [hbm4b:s7+s2], $0x80, v5, vm0, $0xb8;
	[tilespmem:$0x18100] =	vst v63  }
0xba: {  	_ = 	snop  }
0xbb: {  	[tilespmem:s21], [sflag:$0x1] =	stream.indirect_vreg.gather [hbm4b:s3+s2], $0x80, v4, vm0, $0xb8;
	[tilespmem:$0x18100] =	vst v63  }
0xbc: {  	_ = 	snop  }
0xbd: {  	[tilespmem:s22], [sflag:$0x1] =	stream.indirect_vreg.gather [hbm4b:s5+s2], $0x80, v4, vm0, $0xb8;
	[tilespmem:$0x18100] =	vst v63  }
0xbe: {  	_ = 	snop  }
0xbf: {  	[tilespmem:s23], [sflag:$0x1] =	stream.indirect_vreg.gather [hbm4b:s6+s2], $0x80, v4, vm0, $0xb8;
	[tilespmem:$0x18100] =	vst v63  }
0xc0: {  	_ = 	snop  }
0xc1: {  	[tilespmem:s24], [sflag:$0x1] =	stream.indirect_vreg.gather [hbm4b:s7+s2], $0x80, v4, vm0, $0xb8;
	[tilespmem:$0x18100] =	vst v63  }
0xc2: {  	v4 =	vld [tilespmem:$0x70];
	_ =	sdelay $0x4  }
0xc3: {  	v5 =	vshll.u32 v4, $0x3  }
0xc4: {  	v4 =	vand.u32 $0x7, v4;
	v5 =	vand.u32 $0xFFFFFFC0, v5  }
0xc5: {  	v4 =	vor.u32 v4, v5  }
0xc6: {  	v5 =	vperm.xlane v4, v1;
	_ =	sdelay $0x1  }
0xc7: {  	v5 =	vadd.s32 v2, v5;
	_ =	sdelay $0x4  }
0xc8: {  	[tilespmem:s25], [sflag:$0x1] =	stream.indirect_vreg.gather [hbm4b:s3+s2], $0x80, v5, vm0, $0xb8;
	[tilespmem:$0x18100] =	vst v63  }
0xc9: {  	v4 =	vperm.xlane v4, v3  }
0xca: {  	[tilespmem:s26], [sflag:$0x1] =	stream.indirect_vreg.gather [hbm4b:s5+s2], $0x80, v5, vm0, $0xb8;
	[tilespmem:$0x18100] =	vst v63  }
0xcb: {  	v4 =	vadd.s32 v2, v4  }
0xcc: {  	[tilespmem:s28], [sflag:$0x1] =	stream.indirect_vreg.gather [hbm4b:s6+s2], $0x80, v5, vm0, $0xb8;
	[tilespmem:$0x18100] =	vst v63  }
0xcd: {  	_ = 	snop  }
0xce: {  	[tilespmem:s29], [sflag:$0x1] =	stream.indirect_vreg.gather [hbm4b:s7+s2], $0x80, v5, vm0, $0xb8;
	[tilespmem:$0x18100] =	vst v63  }
0xcf: {  	_ = 	snop  }
0xd0: {  	[tilespmem:s30], [sflag:$0x1] =	stream.indirect_vreg.gather [hbm4b:s3+s2], $0x80, v4, vm0, $0xb8;
	[tilespmem:$0x18100] =	vst v63  }
0xd1: {  	_ = 	snop  }
0xd2: {  	[tilespmem:s31], [sflag:$0x1] =	stream.indirect_vreg.gather [hbm4b:s5+s2], $0x80, v4, vm0, $0xb8;
	[tilespmem:$0x18100] =	vst v63  }
0xd3: {  	s17 =	simm.s32 $0x7100  }
0xd4: {  	[tilespmem:s17], [sflag:$0x1] =	stream.indirect_vreg.gather [hbm4b:s6+s2], $0x80, v4, vm0, $0xb8;
	[tilespmem:$0x18100] =	vst v63  }
0xd5: {  	s17 =	simm.s32 $0x7900  }
0xd6: {  	[tilespmem:s17], [sflag:$0x1] =	stream.indirect_vreg.gather [hbm4b:s7+s2], $0x80, v4, vm0, $0xb8;
	[tilespmem:$0x18100] =	vst v63  }
0xd7: {  	v4 =	vld [tilespmem:$0x80];
	_ =	sdelay $0x4  }
0xd8: {  	v5 =	vshll.u32 v4, $0x3  }
0xd9: {  	v4 =	vand.u32 $0x7, v4;
	v5 =	vand.u32 $0xFFFFFFC0, v5  }
0xda: {  	v4 =	vor.u32 v4, v5  }
0xdb: {  	v5 =	vperm.xlane v4, v1;
	_ =	sdelay $0x1  }
0xdc: {  	v5 =	vadd.s32 v2, v5;
	_ =	sdelay $0x3  }
0xdd: {  	s17 =	simm.s32 $0x8100  }
0xde: {  	[tilespmem:s17], [sflag:$0x1] =	stream.indirect_vreg.gather [hbm4b:s3+s2], $0x80, v5, vm0, $0xb8;
	[tilespmem:$0x18100] =	vst v63  }
0xdf: {  	v4 =	vperm.xlane v4, v3  }
0xe0: {  	[tilespmem:s12], [sflag:$0x1] =	stream.indirect_vreg.gather [hbm4b:s5+s2], $0x80, v5, vm0, $0xb8;
	[tilespmem:$0x18100] =	vst v63  }
0xe1: {  	v4 =	vadd.s32 v2, v4  }
0xe2: {  	[tilespmem:s9], [sflag:$0x1] =	stream.indirect_vreg.gather [hbm4b:s6+s2], $0x80, v5, vm0, $0xb8;
	[tilespmem:$0x18100] =	vst v63  }
0xe3: {  	_ = 	snop  }
0xe4: {  	[tilespmem:s10], [sflag:$0x1] =	stream.indirect_vreg.gather [hbm4b:s7+s2], $0x80, v5, vm0, $0xb8;
	[tilespmem:$0x18100] =	vst v63  }
0xe5: {  	_ = 	snop  }
0xe6: {  	[tilespmem:s13], [sflag:$0x1] =	stream.indirect_vreg.gather [hbm4b:s3+s2], $0x80, v4, vm0, $0xb8;
	[tilespmem:$0x18100] =	vst v63  }
0xe7: {  	_ = 	snop  }
0xe8: {  	[tilespmem:s14], [sflag:$0x1] =	stream.indirect_vreg.gather [hbm4b:s5+s2], $0x80, v4, vm0, $0xb8;
	[tilespmem:$0x18100] =	vst v63  }
0xe9: {  	_ = 	snop  }
0xea: {  	[tilespmem:s15], [sflag:$0x1] =	stream.indirect_vreg.gather [hbm4b:s6+s2], $0x80, v4, vm0, $0xb8;
	[tilespmem:$0x18100] =	vst v63  }
0xeb: {  	s9 =	simm.s32 $0x2  }
0xec: {  	[tilespmem:s16], [sflag:$0x1] =	stream.indirect_vreg.gather [hbm4b:s7+s2], $0x80, v4, vm0, $0xb8;
	[tilespmem:$0x18100] =	vst v63  }
0xed: {  	_ =	swait.ge [sflag:s9], $0xC000  }
0xee: {  	[sflag:s9] =	ssyncset.done $0x0  }
0xef: {  	s10 =	rddreg [dreg:$0x4];
	[sflag:s9] =	ssyncadd.s32 $0xFFFF4000  }
0xf0: {  	[hbm4b:s10+s2] =	stream.linear.scatter [tilespmem:s4], [sflag:$0x4], $0xC000, $0x38;
	[tilespmem:$0x18100] =	vst v63  }
0xf1: {  	s10 =	simm.s32 $0x4  }
0xf2: {  	_ =	swait.ge [sflag:s10], $0xC000  }
0xf3: {  	[sflag:s10] =	ssyncset.done $0x0  }
0xf4: {  	[sflag:s10] =	ssyncadd.s32 $0xFFFF4000  }
0xf5: {  	v4 =	vld [tilespmem:$0x90];
	_ =	sdelay $0x4  }
0xf6: {  	v5 =	vshll.u32 v4, $0x3  }
0xf7: {  	v4 =	vand.u32 $0x7, v4;
	v5 =	vand.u32 $0xFFFFFFC0, v5  }
0xf8: {  	v4 =	vor.u32 v4, v5  }
0xf9: {  	v5 =	vperm.xlane v4, v1;
	_ =	sdelay $0x1  }
0xfa: {  	v5 =	vadd.s32 v2, v5;
	_ =	sdelay $0x4  }
0xfb: {  	[tilespmem:s4], [sflag:$0x2] =	stream.indirect_vreg.gather [hbm4b:s3+s2], $0x80, v5, vm0, $0xb8;
	[tilespmem:$0x18100] =	vst v63  }
0xfc: {  	s17 =	simm.s32 $0xC900;
	v4 =	vperm.xlane v4, v3  }
0xfd: {  	[tilespmem:s17], [sflag:$0x2] =	stream.indirect_vreg.gather [hbm4b:s5+s2], $0x80, v5, vm0, $0xb8;
	[tilespmem:$0x18100] =	vst v63  }
0xfe: {  	v4 =	vadd.s32 v2, v4;
	s17 =	simm.s32 $0xD100  }
0xff: {  	[tilespmem:s17], [sflag:$0x2] =	stream.indirect_vreg.gather [hbm4b:s6+s2], $0x80, v5, vm0, $0xb8;
	[tilespmem:$0x18100] =	vst v63  }
0x100: {  	s17 =	simm.s32 $0xD900  }
0x101: {  	[tilespmem:s17], [sflag:$0x2] =	stream.indirect_vreg.gather [hbm4b:s7+s2], $0x80, v5, vm0, $0xb8;
	[tilespmem:$0x18100] =	vst v63  }
0x102: {  	s17 =	simm.s32 $0xE100  }
0x103: {  	[tilespmem:s17], [sflag:$0x2] =	stream.indirect_vreg.gather [hbm4b:s3+s2], $0x80, v4, vm0, $0xb8;
	[tilespmem:$0x18100] =	vst v63  }
0x104: {  	s17 =	simm.s32 $0xE900  }
0x105: {  	[tilespmem:s17], [sflag:$0x2] =	stream.indirect_vreg.gather [hbm4b:s5+s2], $0x80, v4, vm0, $0xb8;
	[tilespmem:$0x18100] =	vst v63  }
0x106: {  	s17 =	simm.s32 $0xF100  }
0x107: {  	[tilespmem:s17], [sflag:$0x2] =	stream.indirect_vreg.gather [hbm4b:s6+s2], $0x80, v4, vm0, $0xb8;
	[tilespmem:$0x18100] =	vst v63  }
0x108: {  	s17 =	simm.s32 $0xF900  }
0x109: {  	[tilespmem:s17], [sflag:$0x2] =	stream.indirect_vreg.gather [hbm4b:s7+s2], $0x80, v4, vm0, $0xb8;
	[tilespmem:$0x18100] =	vst v63  }
0x10a: {  	v4 =	vld [tilespmem:$0xA0];
	_ =	sdelay $0x4  }
0x10b: {  	v5 =	vshll.u32 v4, $0x3  }
0x10c: {  	v4 =	vand.u32 $0x7, v4;
	v5 =	vand.u32 $0xFFFFFFC0, v5  }
0x10d: {  	v4 =	vor.u32 v4, v5  }
0x10e: {  	v5 =	vperm.xlane v4, v1;
	_ =	sdelay $0x1  }
0x10f: {  	v5 =	vadd.s32 v2, v5;
	_ =	sdelay $0x3  }
0x110: {  	s17 =	simm.s32 $0x10100  }
0x111: {  	[tilespmem:s17], [sflag:$0x2] =	stream.indirect_vreg.gather [hbm4b:s3+s2], $0x80, v5, vm0, $0xb8;
	[tilespmem:$0x18100] =	vst v63  }
0x112: {  	v4 =	vperm.xlane v4, v3;
	s17 =	simm.s32 $0x10900  }
0x113: {  	[tilespmem:s17], [sflag:$0x2] =	stream.indirect_vreg.gather [hbm4b:s5+s2], $0x80, v5, vm0, $0xb8;
	[tilespmem:$0x18100] =	vst v63  }
0x114: {  	v4 =	vadd.s32 v2, v4;
	s17 =	simm.s32 $0x11100  }
0x115: {  	[tilespmem:s17], [sflag:$0x2] =	stream.indirect_vreg.gather [hbm4b:s6+s2], $0x80, v5, vm0, $0xb8;
	[tilespmem:$0x18100] =	vst v63  }
0x116: {  	s17 =	simm.s32 $0x11900  }
0x117: {  	[tilespmem:s17], [sflag:$0x2] =	stream.indirect_vreg.gather [hbm4b:s7+s2], $0x80, v5, vm0, $0xb8;
	[tilespmem:$0x18100] =	vst v63  }
0x118: {  	s17 =	simm.s32 $0x12100  }
0x119: {  	[tilespmem:s17], [sflag:$0x2] =	stream.indirect_vreg.gather [hbm4b:s3+s2], $0x80, v4, vm0, $0xb8;
	[tilespmem:$0x18100] =	vst v63  }
0x11a: {  	s17 =	simm.s32 $0x12900  }
0x11b: {  	[tilespmem:s17], [sflag:$0x2] =	stream.indirect_vreg.gather [hbm4b:s5+s2], $0x80, v4, vm0, $0xb8;
	[tilespmem:$0x18100] =	vst v63  }
0x11c: {  	s17 =	simm.s32 $0x13100  }
0x11d: {  	[tilespmem:s17], [sflag:$0x2] =	stream.indirect_vreg.gather [hbm4b:s6+s2], $0x80, v4, vm0, $0xb8;
	[tilespmem:$0x18100] =	vst v63  }
0x11e: {  	s17 =	simm.s32 $0x13900  }
0x11f: {  	[tilespmem:s17], [sflag:$0x2] =	stream.indirect_vreg.gather [hbm4b:s7+s2], $0x80, v4, vm0, $0xb8;
	[tilespmem:$0x18100] =	vst v63  }
0x120: {  	v4 =	vld [tilespmem:$0xB0];
	_ =	sdelay $0x4  }
0x121: {  	v5 =	vshll.u32 v4, $0x3  }
0x122: {  	v4 =	vand.u32 $0x7, v4;
	v5 =	vand.u32 $0xFFFFFFC0, v5  }
0x123: {  	v4 =	vor.u32 v4, v5  }
0x124: {  	v5 =	vperm.xlane v4, v1;
	_ =	sdelay $0x1  }
0x125: {  	v5 =	vadd.s32 v2, v5;
	_ =	sdelay $0x3  }
0x126: {  	s17 =	simm.s32 $0x14100  }
0x127: {  	[tilespmem:s17], [sflag:$0x2] =	stream.indirect_vreg.gather [hbm4b:s3+s2], $0x80, v5, vm0, $0xb8;
	[tilespmem:$0x18100] =	vst v63  }
0x128: {  	v4 =	vperm.xlane v4, v3;
	s17 =	simm.s32 $0x14900  }
0x129: {  	[tilespmem:s17], [sflag:$0x2] =	stream.indirect_vreg.gather [hbm4b:s5+s2], $0x80, v5, vm0, $0xb8;
	[tilespmem:$0x18100] =	vst v63  }
0x12a: {  	v4 =	vadd.s32 v2, v4;
	s17 =	simm.s32 $0x15100  }
0x12b: {  	[tilespmem:s17], [sflag:$0x2] =	stream.indirect_vreg.gather [hbm4b:s6+s2], $0x80, v5, vm0, $0xb8;
	[tilespmem:$0x18100] =	vst v63  }
0x12c: {  	s17 =	simm.s32 $0x15900  }
0x12d: {  	[tilespmem:s17], [sflag:$0x2] =	stream.indirect_vreg.gather [hbm4b:s7+s2], $0x80, v5, vm0, $0xb8;
	[tilespmem:$0x18100] =	vst v63  }
0x12e: {  	s17 =	simm.s32 $0x16100  }
0x12f: {  	[tilespmem:s17], [sflag:$0x2] =	stream.indirect_vreg.gather [hbm4b:s3+s2], $0x80, v4, vm0, $0xb8;
	[tilespmem:$0x18100] =	vst v63  }
0x130: {  	s17 =	simm.s32 $0x16900  }
0x131: {  	[tilespmem:s17], [sflag:$0x2] =	stream.indirect_vreg.gather [hbm4b:s5+s2], $0x80, v4, vm0, $0xb8;
	[tilespmem:$0x18100] =	vst v63  }
0x132: {  	s17 =	simm.s32 $0x17100  }
0x133: {  	[tilespmem:s17], [sflag:$0x2] =	stream.indirect_vreg.gather [hbm4b:s6+s2], $0x80, v4, vm0, $0xb8;
	[tilespmem:$0x18100] =	vst v63  }
0x134: {  	s17 =	simm.s32 $0x17900  }
0x135: {  	[tilespmem:s17], [sflag:$0x2] =	stream.indirect_vreg.gather [hbm4b:s7+s2], $0x80, v4, vm0, $0xb8;
	[tilespmem:$0x18100] =	vst v63  }
0x136: {  	_ =	swait.ge [sflag:s0], $0xC000  }
0x137: {  	[sflag:s0] =	ssyncset.done $0x0  }
0x138: {  	s8 =	simm.s32 $0x100;
	s17 =	rddreg [dreg:$0x5];
	[sflag:s0] =	ssyncadd.s32 $0xFFFF4000  }
0x139: {  	[hbm4b:s17+s2] =	stream.linear.scatter [tilespmem:s8], [sflag:$0x3], $0xC000, $0x38;
	[tilespmem:$0x18100] =	vst v63  }
0x13a: {  	_ =	swait.ge [sflag:s9], $0xC000  }
0x13b: {  	[sflag:s9] =	ssyncset.done $0x0  }
0x13c: {  	s8 =	rddreg [dreg:$0x6];
	[sflag:s9] =	ssyncadd.s32 $0xFFFF4000  }
0x13d: {  	[hbm4b:s8+s2] =	stream.linear.scatter [tilespmem:s4], [sflag:$0x4], $0xC000, $0x38;
	[tilespmem:$0x18100] =	vst v63  }
0x13e: {  	p0 =	sne.s32 s11, $0x1;
	_ =	swait.ge [sflag:s1], $0xC000  }
.Ltmp0:
0x13f: {  	[sflag:s1] =	ssyncset.done $0x0;
	(pc) =	sbr.rel @p0 .LBB2_1-.Ltmp0, $4  }
0x140: {  	[sflag:s1] =	ssyncadd.s32 $0xFFFF4000  }
0x141: {  	_ =	swait.ge [sflag:s10], $0xC000  }
0x142: {  	[sflag:s10] =	ssyncset.done $0x0  }
0x143: {  	s11 =	sadd.s32 $0xFFFFFFFF, s11;
	[sflag:s10] =	ssyncadd.s32 $0xFFFF4000  }
0x144: {  	_ =	sfence.sel $0x180000  }
0x145: {  	[bflag:$0x0] =	sbarrier.arrive $0xFFFF  }
0x146: {  	_ =	strace $0x90000047  }
0x147: {  	s0 =	stileid.u32;
	[bflag:$0x2] =	sbarrier.arrive $0xFFFF  }
0x148: {  	p0 =	sne.s32 s0, $0x0;
	s0 =	rddreg [dreg:$0x2]  }
0x149: {  	s0 =	sadd.s32 @!p0 $0x100000, s0  }
0x14a: {  	[sflag:s0] =	ssyncadd.tile.s32 @!p0 $0x1;
	_ =	shalt  }
.Lfunc_end2:
_tile_overlayer_lowered:
.L_overlay_start_2:
0x14b: {  	(tag) =	ssettag $0x2  }
0x14c: {  	s0 =	rddreg [dreg:$0x0];
	s2 =	stileid.u32  }
0x14d: {  	s1 =	rddreg [dreg:$0x1];
	p0 =	sne.s32 s2, $0x0  }
0x14e: {  	s3 =	rddreg [dreg:$0x2];
	[bflag:$0x3] =	sbarrier.arrive $0xFFFF;
	s2 =	simm.s32 @!p0 $0x1C05  }
0x14f: {  	[timem:s3], [sflag:s2] =	dma.local @!p0 [hbm:s0], s1  }
0x150: {  	s0 =	simm.s32 @!p0 $0x5  }
0x151: {  	_ =	swait.ge @!p0 [sflag:s0], s1  }
0x152: {  	s1 =	ssub.s32 @!p0 $0x0, s1;
	[sflag:s0] =	ssyncset.done @!p0 $0x0  }
0x153: {  	[sflag:s0] =	ssyncadd.s32 @!p0 s1  }
0x154: {  	[bflag:$0x3] =	sbarrier.arrive $0xFFFF  }
0x155: {  	_ =	shalt  }

</sc_bundles>
